<compile_context>
chip_gen: v7x
topology: tpu7x:2x2x1
jax: 0.10.2.dev20260603
libtpu: 0.0.44.dev20260713+nightly
codegen_flags: <defaults>
</compile_context>

<pallas_src>
import functools

import jax
import jax.numpy as jnp
from jax import lax
from jax.experimental import pallas as pl
from jax.experimental.pallas import tpu as pltpu
from jax.experimental.pallas import tpu_sc as plsc

VOCAB = 100000
D = 64
BATCH = 1024
CAP = 50
NC, NS = 2, 16
NW = NC * NS
DPW = D // NW
TB = 5


@functools.partial(
    pl.kernel,
    mesh=plsc.VectorSubcoreMesh(core_axis_name="c", subcore_axis_name="s"),
    out_type=jax.ShapeDtypeStruct((8 * CAP, 8, BATCH), jnp.float32),
    scratch_types=[
        pltpu.VMEM((VOCAB,), jnp.float32),
        pltpu.VMEM((2, TB, 1, BATCH), jnp.int32),
        pltpu.VMEM((2, TB, 1, BATCH), jnp.float32),
        pltpu.SemaphoreType.DMA((2,)),
        pltpu.SemaphoreType.DMA((2,)),
        pltpu.SemaphoreType.DMA,
    ],
    compiler_params=pltpu.CompilerParams(needs_layout_passes=False),
)
def _gather_t_kernel(tab_hbm, idx_hbm, out_hbm, row_v, idx_v, blk_v,
                     sem_idx, sem_out, sem_row):
    wid = lax.axis_index("s") * NC + lax.axis_index("c")
    nit = CAP // TB

    def per_dim(h, _):
        d = wid * DPW + jnp.bitwise_xor(h, jnp.bitwise_and(wid, 1))
        g = d // 8
        r = d % 8
        row_cp = pltpu.async_copy(tab_hbm.at[g, r], row_v, sem_row)
        dz = h * 0
        for j in range(TB):
            pltpu.async_copy(
                idx_hbm.at[pl.ds(dz + j, 1)], idx_v.at[0, j], sem_idx.at[0])
            pltpu.async_copy(
                idx_hbm.at[pl.ds(dz + TB + j, 1)], idx_v.at[1, j], sem_idx.at[1])

        @pl.when(h > 0)
        def _():
            for p in range(2):
                for _j in range(TB):
                    pltpu.make_async_copy(
                        blk_v.at[p, 0], out_hbm.at[0, pl.ds(0, 1)],
                        sem_out.at[p]).wait()

        row_cp.wait()

        def per_it(i, _):
            p = lax.rem(i, 2)
            t0 = i * TB
            for _j in range(TB):
                pltpu.make_async_copy(
                    idx_hbm.at[pl.ds(0, 1)], idx_v.at[p, 0], sem_idx.at[p]).wait()

            @pl.when(i >= 2)
            def _():
                for _j in range(TB):
                    pltpu.make_async_copy(
                        blk_v.at[p, 0], out_hbm.at[0, pl.ds(0, 1)],
                        sem_out.at[p]).wait()

            @plsc.parallel_loop(0, TB * (BATCH // 16), unroll=16)
            def _(k):
                iv = idx_v[p, k // 64, 0, pl.ds((k * 16) % BATCH, 16)]
                vals = plsc.load_gather(row_v, [iv])
                blk_v[p, k // 64, 0, pl.ds((k * 16) % BATCH, 16)] = vals

            for j in range(TB):
                pltpu.async_copy(
                    blk_v.at[p, j], out_hbm.at[8 * (t0 + j) + g, pl.ds(r, 1)],
                    sem_out.at[p])

            @pl.when(i + 2 < nit)
            def _():
                for j in range(TB):
                    pltpu.async_copy(
                        idx_hbm.at[pl.ds(t0 + 2 * TB + j, 1)], idx_v.at[p, j],
                        sem_idx.at[p])

            return ()

        lax.fori_loop(0, nit, per_it, (), unroll=False)
        return ()

    lax.fori_loop(0, DPW, per_dim, (), unroll=False)
    for p in range(2):
        for _j in range(TB):
            pltpu.make_async_copy(
                blk_v.at[p, 0], out_hbm.at[0, pl.ds(0, 1)], sem_out.at[p]).wait()


def kernel(encoder_out, encoded_captions, caption_lengths, embedding_weight):
    tab3 = embedding_weight.T.reshape(8, 8, VOCAB)
    idx_t = encoded_captions.T
    out4 = _gather_t_kernel(tab3, idx_t)
    out = (
        out4.reshape(8 * CAP * 8, BATCH)
        .reshape(CAP, D, BATCH)
        .transpose(2, 0, 1)
    )
    return out

# --- scband reference (transcript-rebuilt; emitter-appended) ---
"""Pipeline reference for scband-decoder-63385127354622 (READ-ONLY COPY).

The authoritative reference and input builder live on the scoring server;
editing this copy changes nothing except your own understanding.
"""

import jax, jax.numpy as jnp
import numpy as np

VOCAB = 100000
EMBED_DIM = 64
DECODER_DIM = 512
BATCH = 1024
CAP_LEN = 50


def setup_inputs(seed: int = 0) -> dict:
    key = jax.random.key(seed)
    k1, k2, k3, k4 = jax.random.split(key, 4)
    encoder_out = jax.random.normal(k1, (BATCH, 49, DECODER_DIM), dtype=jnp.float32)
    encoded_captions = jax.random.randint(k2, (BATCH, CAP_LEN), 0, VOCAB, dtype=jnp.int32)
    caption_lengths = jax.random.randint(k3, (BATCH, 1), 1, CAP_LEN + 1, dtype=jnp.int32)
    # learned embedding table, initialized uniform(-0.1, 0.1) per init_weights()
    embedding_weight = jax.random.uniform(k4, (VOCAB, EMBED_DIM), minval=-0.1, maxval=0.1, dtype=jnp.float32)
    return {
        "encoder_out": encoder_out,
        "encoded_captions": encoded_captions,
        "caption_lengths": caption_lengths,
        "embedding_weight": embedding_weight,
    }


def reference(encoder_out, encoded_captions, caption_lengths, embedding_weight):
    # Core concrete computation of this abstract Decoder: the embedding lookup
    # over one-hot-encoded captions (dropout is identity in eval mode).
    # emb = self.embedding(encoded_captions)  -> gather rows of the table
    emb = jnp.take(embedding_weight, encoded_captions, axis=0)
    return emb

if __name__ == "__main__":
    import jax
    _d = setup_inputs()
    print(jax.jit(kernel)(*tuple(_d.values())))

</pallas_src>

<mosaic_0001>
#map = affine_map<(d0, d1) -> (0, 0, 0)>
#map1 = affine_map<(d0, d1) -> (0, 0)>
module attributes {stable_mosaic.version = 14 : i64} {
  func.func @_gather_t_kernel(%arg0: i32, %arg1: i32, %arg2: memref<8x8x100000xf32, #tpu.memory_space<hbm>>, %arg3: memref<50x1024xi32, #tpu.memory_space<hbm>>, %arg4: memref<400x8x1024xf32, #tpu.memory_space<hbm>>, %arg5: memref<100000xf32, #tpu.memory_space<vmem>>, %arg6: memref<2x5x1x1024xi32, #tpu.memory_space<vmem>>, %arg7: memref<2x5x1x1024xf32, #tpu.memory_space<vmem>>, %arg8: memref<2x!tpu.dma_semaphore, #tpu.memory_space<semaphore_mem>>, %arg9: memref<2x!tpu.dma_semaphore, #tpu.memory_space<semaphore_mem>>, %arg10: memref<!tpu.dma_semaphore, #tpu.memory_space<semaphore_mem>>) attributes {dimension_semantics = [#tpu.dimension_semantics<core_parallel>, #tpu.dimension_semantics<subcore_parallel>], iteration_bounds = array<i64: 2, 16>, scalar_prefetch = 0 : i64, scratch_operands = 6 : i64, tpu.core_type = #tpu.core_type<sc_vector_subcore>, window_params = [{transform_indices = #map}, {transform_indices = #map1}, {transform_indices = #map}]} {
    %mul3A = arith.constant 2 : i32
    %mul3A_0 = arith.muli %arg1, %mul3A : i32
    %add3A = arith.addi %mul3A_0, %arg0 : i32
    %scan3A = arith.constant 0 : i32
    %scan3A_1 = arith.constant 2 : i32
    %scan3A_2 = arith.addi %scan3A, %scan3A_1 : i32
    %scan3A_3 = arith.constant 1 : i32
    scf.for %scan3A_224 = %scan3A to %scan3A_2 step %scan3A_3  : i32 {
      %mul3A_225 = arith.constant 2 : i32
      %mul3A_226 = arith.muli %add3A, %mul3A_225 : i32
      %and3A = arith.constant 1 : i32
      %and3A_227 = arith.andi %add3A, %and3A : i32
      %xor3A = arith.xori %scan3A_224, %and3A_227 : i32
      %add3A_228 = arith.addi %mul3A_226, %xor3A : i32
      %jit3A = arith.constant 8 : i32
      %div3A = arith.divsi %add3A_228, %jit3A : i32
      %sign3A = arith.constant 0 : i32
      %sign3A_229 = arith.cmpi sgt, %add3A_228, %sign3A : i32
      %sign3A_230 = arith.extui %sign3A_229 : i1 to i32
      %sign3A_231 = arith.constant 0 : i32
      %sign3A_232 = arith.cmpi slt, %add3A_228, %sign3A_231 : i32
      %sign3A_233 = arith.extui %sign3A_232 : i1 to i32
      %sign3A_234 = arith.subi %sign3A_230, %sign3A_233 : i32
      %sign3A_235 = arith.constant 0 : i32
      %sign3A_236 = arith.cmpi sgt, %jit3A, %sign3A_235 : i32
      %sign3A_237 = arith.extui %sign3A_236 : i1 to i32
      %sign3A_238 = arith.constant 0 : i32
      %sign3A_239 = arith.cmpi slt, %jit3A, %sign3A_238 : i32
      %sign3A_240 = arith.extui %sign3A_239 : i1 to i32
      %sign3A_241 = arith.subi %sign3A_237, %sign3A_240 : i32
      %ne3A = arith.cmpi ne, %sign3A_234, %sign3A_241 : i32
      %rem3A = arith.remsi %add3A_228, %jit3A : i32
      %ne3A_242 = arith.constant 0 : i32
      %ne3A_243 = arith.cmpi ne, %rem3A, %ne3A_242 : i32
      %and3A_244 = arith.andi %ne3A, %ne3A_243 : i1
      %sub3A = arith.constant 1 : i32
      %sub3A_245 = arith.subi %div3A, %sub3A : i32
      %select_n3A = arith.select %and3A_244, %sub3A_245, %div3A : i32
      %jit3A_246 = arith.constant 8 : i32
      %eq3A = arith.constant 0 : i32
      %eq3A_247 = arith.cmpi eq, %jit3A_246, %eq3A : i32
      %jit3A_248 = arith.constant 1 : i32
      %select_n3A_249 = arith.select %eq3A_247, %jit3A_248, %jit3A_246 : i32
      %rem3A_250 = arith.remsi %add3A_228, %select_n3A_249 : i32
      %ne3A_251 = arith.constant 0 : i32
      %ne3A_252 = arith.cmpi ne, %rem3A_250, %ne3A_251 : i32
      %lt3A = arith.constant 0 : i32
      %lt3A_253 = arith.cmpi slt, %rem3A_250, %lt3A : i32
      %lt3A_254 = arith.constant 0 : i32
      %lt3A_255 = arith.cmpi slt, %select_n3A_249, %lt3A_254 : i32
      %ne3A_256 = arith.xori %lt3A_253, %lt3A_255 : i1
      %and3A_257 = arith.andi %ne3A_256, %ne3A_252 : i1
      %add3A_258 = arith.addi %rem3A_250, %select_n3A_249 : i32
      %select_n3A_259 = arith.select %and3A_257, %add3A_258, %rem3A_250 : i32
      %dma_start3A = arith.constant 0 : i32
      %dma_start3A_260 = tpu.memref_slice %arg2[%select_n3A, %select_n3A_259, %dma_start3A] : memref<8x8x100000xf32, #tpu.memory_space<hbm>> -> memref<1x1x100000xf32, #tpu.memory_space<hbm>>
      %dma_start3A_261 = tpu.memref_squeeze %dma_start3A_260 : memref<1x1x100000xf32, #tpu.memory_space<hbm>> -> memref<100000xf32, #tpu.memory_space<hbm>>
      %dma_start3A_262 = arith.constant 0 : i32
      %dma_start3A_263 = tpu.memref_slice %arg2[%select_n3A, %select_n3A_259, %dma_start3A_262] : memref<8x8x100000xf32, #tpu.memory_space<hbm>> -> memref<1x1x100000xf32, #tpu.memory_space<hbm>>
      %dma_start3A_264 = tpu.memref_squeeze %dma_start3A_263 : memref<1x1x100000xf32, #tpu.memory_space<hbm>> -> memref<100000xf32, #tpu.memory_space<hbm>>
      tpu.enqueue_dma source(%dma_start3A_264 : memref<100000xf32, #tpu.memory_space<hbm>>) target(%arg5 : memref<100000xf32, #tpu.memory_space<vmem>>) target_semaphore(%arg10 : memref<!tpu.dma_semaphore, #tpu.memory_space<semaphore_mem>>)
      %mul3A_265 = arith.constant 0 : i32
      %mul3A_266 = arith.muli %scan3A_224, %mul3A_265 : i32
      %add3A_267 = arith.constant 0 : i32
      %add3A_268 = arith.addi %mul3A_266, %add3A_267 : i32
      %dma_start3A_269 = arith.constant 0 : i32
      %dma_start3A_270 = arith.constant 0 : i32
      %dma_start3A_271 = arith.constant 0 : i32
      %dma_start3A_272 = arith.constant 0 : i32
      %dma_start3A_273 = arith.constant 0 : i32
      %dma_start3A_274 = tpu.memref_slice %arg6[%dma_start3A_269, %dma_start3A_270, %dma_start3A_272, %dma_start3A_273] : memref<2x5x1x1024xi32, #tpu.memory_space<vmem>> -> memref<1x1x1x1024xi32, #tpu.memory_space<vmem>>
      %dma_start3A_275 = tpu.memref_squeeze %dma_start3A_274 : memref<1x1x1x1024xi32, #tpu.memory_space<vmem>> -> memref<1x1024xi32, #tpu.memory_space<vmem>>
      %dma_start3A_276 = arith.constant 0 : i32
      %dma_start3A_277 = tpu.memref_slice %arg3[%add3A_268, %dma_start3A_276] : memref<50x1024xi32, #tpu.memory_space<hbm>> -> memref<1x1024xi32, #tpu.memory_space<hbm>>
      %dma_start3A_278 = tpu.memref_slice %arg8[%dma_start3A_271] : memref<2x!tpu.dma_semaphore, #tpu.memory_space<semaphore_mem>> -> memref<1x!tpu.dma_semaphore, #tpu.memory_space<semaphore_mem>>
      %dma_start3A_279 = tpu.memref_squeeze %dma_start3A_278 : memref<1x!tpu.dma_semaphore, #tpu.memory_space<semaphore_mem>> -> memref<!tpu.dma_semaphore, #tpu.memory_space<semaphore_mem>>
      %dma_start3A_280 = arith.constant 0 : i32
      %dma_start3A_281 = arith.constant 0 : i32
      %dma_start3A_282 = tpu.memref_slice %arg6[%dma_start3A_269, %dma_start3A_270, %dma_start3A_280, %dma_start3A_281] : memref<2x5x1x1024xi32, #tpu.memory_space<vmem>> -> memref<1x1x1x1024xi32, #tpu.memory_space<vmem>>
      %dma_start3A_283 = tpu.memref_squeeze %dma_start3A_282 : memref<1x1x1x1024xi32, #tpu.memory_space<vmem>> -> memref<1x1024xi32, #tpu.memory_space<vmem>>
      %dma_start3A_284 = arith.constant 0 : i32
      %dma_start3A_285 = tpu.memref_slice %arg3[%add3A_268, %dma_start3A_284] : memref<50x1024xi32, #tpu.memory_space<hbm>> -> memref<1x1024xi32, #tpu.memory_space<hbm>>
      tpu.enqueue_dma source(%dma_start3A_285 : memref<1x1024xi32, #tpu.memory_space<hbm>>) target(%dma_start3A_283 : memref<1x1024xi32, #tpu.memory_space<vmem>>) target_semaphore(%dma_start3A_279 : memref<!tpu.dma_semaphore, #tpu.memory_space<semaphore_mem>>)
      %add3A_286 = arith.constant 5 : i32
      %add3A_287 = arith.addi %mul3A_266, %add3A_286 : i32
      %add3A_288 = arith.constant 0 : i32
      %add3A_289 = arith.addi %add3A_287, %add3A_288 : i32
      %dma_start3A_290 = arith.constant 1 : i32
      %dma_start3A_291 = arith.constant 0 : i32
      %dma_start3A_292 = arith.constant 1 : i32
      %dma_start3A_293 = arith.constant 0 : i32
      %dma_start3A_294 = arith.constant 0 : i32
      %dma_start3A_295 = tpu.memref_slice %arg6[%dma_start3A_290, %dma_start3A_291, %dma_start3A_293, %dma_start3A_294] : memref<2x5x1x1024xi32, #tpu.memory_space<vmem>> -> memref<1x1x1x1024xi32, #tpu.memory_space<vmem>>
      %dma_start3A_296 = tpu.memref_squeeze %dma_start3A_295 : memref<1x1x1x1024xi32, #tpu.memory_space<vmem>> -> memref<1x1024xi32, #tpu.memory_space<vmem>>
      %dma_start3A_297 = arith.constant 0 : i32
      %dma_start3A_298 = tpu.memref_slice %arg3[%add3A_289, %dma_start3A_297] : memref<50x1024xi32, #tpu.memory_space<hbm>> -> memref<1x1024xi32, #tpu.memory_space<hbm>>
      %dma_start3A_299 = tpu.memref_slice %arg8[%dma_start3A_292] : memref<2x!tpu.dma_semaphore, #tpu.memory_space<semaphore_mem>> -> memref<1x!tpu.dma_semaphore, #tpu.memory_space<semaphore_mem>>
      %dma_start3A_300 = tpu.memref_squeeze %dma_start3A_299 : memref<1x!tpu.dma_semaphore, #tpu.memory_space<semaphore_mem>> -> memref<!tpu.dma_semaphore, #tpu.memory_space<semaphore_mem>>
      %dma_start3A_301 = arith.constant 0 : i32
      %dma_start3A_302 = arith.constant 0 : i32
      %dma_start3A_303 = tpu.memref_slice %arg6[%dma_start3A_290, %dma_start3A_291, %dma_start3A_301, %dma_start3A_302] : memref<2x5x1x1024xi32, #tpu.memory_space<vmem>> -> memref<1x1x1x1024xi32, #tpu.memory_space<vmem>>
      %dma_start3A_304 = tpu.memref_squeeze %dma_start3A_303 : memref<1x1x1x1024xi32, #tpu.memory_space<vmem>> -> memref<1x1024xi32, #tpu.memory_space<vmem>>
      %dma_start3A_305 = arith.constant 0 : i32
      %dma_start3A_306 = tpu.memref_slice %arg3[%add3A_289, %dma_start3A_305] : memref<50x1024xi32, #tpu.memory_space<hbm>> -> memref<1x1024xi32, #tpu.memory_space<hbm>>
      tpu.enqueue_dma source(%dma_start3A_306 : memref<1x1024xi32, #tpu.memory_space<hbm>>) target(%dma_start3A_304 : memref<1x1024xi32, #tpu.memory_space<vmem>>) target_semaphore(%dma_start3A_300 : memref<!tpu.dma_semaphore, #tpu.memory_space<semaphore_mem>>)
      %add3A_307 = arith.constant 1 : i32
      %add3A_308 = arith.addi %mul3A_266, %add3A_307 : i32
      %dma_start3A_309 = arith.constant 0 : i32
      %dma_start3A_310 = arith.constant 1 : i32
      %dma_start3A_311 = arith.constant 0 : i32
      %dma_start3A_312 = arith.constant 0 : i32
      %dma_start3A_313 = arith.constant 0 : i32
      %dma_start3A_314 = tpu.memref_slice %arg6[%dma_start3A_309, %dma_start3A_310, %dma_start3A_312, %dma_start3A_313] : memref<2x5x1x1024xi32, #tpu.memory_space<vmem>> -> memref<1x1x1x1024xi32, #tpu.memory_space<vmem>>
      %dma_start3A_315 = tpu.memref_squeeze %dma_start3A_314 : memref<1x1x1x1024xi32, #tpu.memory_space<vmem>> -> memref<1x1024xi32, #tpu.memory_space<vmem>>
      %dma_start3A_316 = arith.constant 0 : i32
      %dma_start3A_317 = tpu.memref_slice %arg3[%add3A_308, %dma_start3A_316] : memref<50x1024xi32, #tpu.memory_space<hbm>> -> memref<1x1024xi32, #tpu.memory_space<hbm>>
      %dma_start3A_318 = tpu.memref_slice %arg8[%dma_start3A_311] : memref<2x!tpu.dma_semaphore, #tpu.memory_space<semaphore_mem>> -> memref<1x!tpu.dma_semaphore, #tpu.memory_space<semaphore_mem>>
      %dma_start3A_319 = tpu.memref_squeeze %dma_start3A_318 : memref<1x!tpu.dma_semaphore, #tpu.memory_space<semaphore_mem>> -> memref<!tpu.dma_semaphore, #tpu.memory_space<semaphore_mem>>
      %dma_start3A_320 = arith.constant 0 : i32
      %dma_start3A_321 = arith.constant 0 : i32
      %dma_start3A_322 = tpu.memref_slice %arg6[%dma_start3A_309, %dma_start3A_310, %dma_start3A_320, %dma_start3A_321] : memref<2x5x1x1024xi32, #tpu.memory_space<vmem>> -> memref<1x1x1x1024xi32, #tpu.memory_space<vmem>>
      %dma_start3A_323 = tpu.memref_squeeze %dma_start3A_322 : memref<1x1x1x1024xi32, #tpu.memory_space<vmem>> -> memref<1x1024xi32, #tpu.memory_space<vmem>>
      %dma_start3A_324 = arith.constant 0 : i32
      %dma_start3A_325 = tpu.memref_slice %arg3[%add3A_308, %dma_start3A_324] : memref<50x1024xi32, #tpu.memory_space<hbm>> -> memref<1x1024xi32, #tpu.memory_space<hbm>>
      tpu.enqueue_dma source(%dma_start3A_325 : memref<1x1024xi32, #tpu.memory_space<hbm>>) target(%dma_start3A_323 : memref<1x1024xi32, #tpu.memory_space<vmem>>) target_semaphore(%dma_start3A_319 : memref<!tpu.dma_semaphore, #tpu.memory_space<semaphore_mem>>)
      %add3A_326 = arith.constant 5 : i32
      %add3A_327 = arith.addi %mul3A_266, %add3A_326 : i32
      %add3A_328 = arith.constant 1 : i32
      %add3A_329 = arith.addi %add3A_327, %add3A_328 : i32
      %dma_start3A_330 = arith.constant 1 : i32
      %dma_start3A_331 = arith.constant 1 : i32
      %dma_start3A_332 = arith.constant 1 : i32
      %dma_start3A_333 = arith.constant 0 : i32
      %dma_start3A_334 = arith.constant 0 : i32
      %dma_start3A_335 = tpu.memref_slice %arg6[%dma_start3A_330, %dma_start3A_331, %dma_start3A_333, %dma_start3A_334] : memref<2x5x1x1024xi32, #tpu.memory_space<vmem>> -> memref<1x1x1x1024xi32, #tpu.memory_space<vmem>>
      %dma_start3A_336 = tpu.memref_squeeze %dma_start3A_335 : memref<1x1x1x1024xi32, #tpu.memory_space<vmem>> -> memref<1x1024xi32, #tpu.memory_space<vmem>>
      %dma_start3A_337 = arith.constant 0 : i32
      %dma_start3A_338 = tpu.memref_slice %arg3[%add3A_329, %dma_start3A_337] : memref<50x1024xi32, #tpu.memory_space<hbm>> -> memref<1x1024xi32, #tpu.memory_space<hbm>>
      %dma_start3A_339 = tpu.memref_slice %arg8[%dma_start3A_332] : memref<2x!tpu.dma_semaphore, #tpu.memory_space<semaphore_mem>> -> memref<1x!tpu.dma_semaphore, #tpu.memory_space<semaphore_mem>>
      %dma_start3A_340 = tpu.memref_squeeze %dma_start3A_339 : memref<1x!tpu.dma_semaphore, #tpu.memory_space<semaphore_mem>> -> memref<!tpu.dma_semaphore, #tpu.memory_space<semaphore_mem>>
      %dma_start3A_341 = arith.constant 0 : i32
      %dma_start3A_342 = arith.constant 0 : i32
      %dma_start3A_343 = tpu.memref_slice %arg6[%dma_start3A_330, %dma_start3A_331, %dma_start3A_341, %dma_start3A_342] : memref<2x5x1x1024xi32, #tpu.memory_space<vmem>> -> memref<1x1x1x1024xi32, #tpu.memory_space<vmem>>
      %dma_start3A_344 = tpu.memref_squeeze %dma_start3A_343 : memref<1x1x1x1024xi32, #tpu.memory_space<vmem>> -> memref<1x1024xi32, #tpu.memory_space<vmem>>
      %dma_start3A_345 = arith.constant 0 : i32
      %dma_start3A_346 = tpu.memref_slice %arg3[%add3A_329, %dma_start3A_345] : memref<50x1024xi32, #tpu.memory_space<hbm>> -> memref<1x1024xi32, #tpu.memory_space<hbm>>
      tpu.enqueue_dma source(%dma_start3A_346 : memref<1x1024xi32, #tpu.memory_space<hbm>>) target(%dma_start3A_344 : memref<1x1024xi32, #tpu.memory_space<vmem>>) target_semaphore(%dma_start3A_340 : memref<!tpu.dma_semaphore, #tpu.memory_space<semaphore_mem>>)
      %add3A_347 = arith.constant 2 : i32
      %add3A_348 = arith.addi %mul3A_266, %add3A_347 : i32
      %dma_start3A_349 = arith.constant 0 : i32
      %dma_start3A_350 = arith.constant 2 : i32
      %dma_start3A_351 = arith.constant 0 : i32
      %dma_start3A_352 = arith.constant 0 : i32
      %dma_start3A_353 = arith.constant 0 : i32
      %dma_start3A_354 = tpu.memref_slice %arg6[%dma_start3A_349, %dma_start3A_350, %dma_start3A_352, %dma_start3A_353] : memref<2x5x1x1024xi32, #tpu.memory_space<vmem>> -> memref<1x1x1x1024xi32, #tpu.memory_space<vmem>>
      %dma_start3A_355 = tpu.memref_squeeze %dma_start3A_354 : memref<1x1x1x1024xi32, #tpu.memory_space<vmem>> -> memref<1x1024xi32, #tpu.memory_space<vmem>>
      %dma_start3A_356 = arith.constant 0 : i32
      %dma_start3A_357 = tpu.memref_slice %arg3[%add3A_348, %dma_start3A_356] : memref<50x1024xi32, #tpu.memory_space<hbm>> -> memref<1x1024xi32, #tpu.memory_space<hbm>>
      %dma_start3A_358 = tpu.memref_slice %arg8[%dma_start3A_351] : memref<2x!tpu.dma_semaphore, #tpu.memory_space<semaphore_mem>> -> memref<1x!tpu.dma_semaphore, #tpu.memory_space<semaphore_mem>>
      %dma_start3A_359 = tpu.memref_squeeze %dma_start3A_358 : memref<1x!tpu.dma_semaphore, #tpu.memory_space<semaphore_mem>> -> memref<!tpu.dma_semaphore, #tpu.memory_space<semaphore_mem>>
      %dma_start3A_360 = arith.constant 0 : i32
      %dma_start3A_361 = arith.constant 0 : i32
      %dma_start3A_362 = tpu.memref_slice %arg6[%dma_start3A_349, %dma_start3A_350, %dma_start3A_360, %dma_start3A_361] : memref<2x5x1x1024xi32, #tpu.memory_space<vmem>> -> memref<1x1x1x1024xi32, #tpu.memory_space<vmem>>
      %dma_start3A_363 = tpu.memref_squeeze %dma_start3A_362 : memref<1x1x1x1024xi32, #tpu.memory_space<vmem>> -> memref<1x1024xi32, #tpu.memory_space<vmem>>
      %dma_start3A_364 = arith.constant 0 : i32
      %dma_start3A_365 = tpu.memref_slice %arg3[%add3A_348, %dma_start3A_364] : memref<50x1024xi32, #tpu.memory_space<hbm>> -> memref<1x1024xi32, #tpu.memory_space<hbm>>
      tpu.enqueue_dma source(%dma_start3A_365 : memref<1x1024xi32, #tpu.memory_space<hbm>>) target(%dma_start3A_363 : memref<1x1024xi32, #tpu.memory_space<vmem>>) target_semaphore(%dma_start3A_359 : memref<!tpu.dma_semaphore, #tpu.memory_space<semaphore_mem>>)
      %add3A_366 = arith.constant 5 : i32
      %add3A_367 = arith.addi %mul3A_266, %add3A_366 : i32
      %add3A_368 = arith.constant 2 : i32
      %add3A_369 = arith.addi %add3A_367, %add3A_368 : i32
      %dma_start3A_370 = arith.constant 1 : i32
      %dma_start3A_371 = arith.constant 2 : i32
      %dma_start3A_372 = arith.constant 1 : i32
      %dma_start3A_373 = arith.constant 0 : i32
      %dma_start3A_374 = arith.constant 0 : i32
      %dma_start3A_375 = tpu.memref_slice %arg6[%dma_start3A_370, %dma_start3A_371, %dma_start3A_373, %dma_start3A_374] : memref<2x5x1x1024xi32, #tpu.memory_space<vmem>> -> memref<1x1x1x1024xi32, #tpu.memory_space<vmem>>
      %dma_start3A_376 = tpu.memref_squeeze %dma_start3A_375 : memref<1x1x1x1024xi32, #tpu.memory_space<vmem>> -> memref<1x1024xi32, #tpu.memory_space<vmem>>
      %dma_start3A_377 = arith.constant 0 : i32
      %dma_start3A_378 = tpu.memref_slice %arg3[%add3A_369, %dma_start3A_377] : memref<50x1024xi32, #tpu.memory_space<hbm>> -> memref<1x1024xi32, #tpu.memory_space<hbm>>
      %dma_start3A_379 = tpu.memref_slice %arg8[%dma_start3A_372] : memref<2x!tpu.dma_semaphore, #tpu.memory_space<semaphore_mem>> -> memref<1x!tpu.dma_semaphore, #tpu.memory_space<semaphore_mem>>
      %dma_start3A_380 = tpu.memref_squeeze %dma_start3A_379 : memref<1x!tpu.dma_semaphore, #tpu.memory_space<semaphore_mem>> -> memref<!tpu.dma_semaphore, #tpu.memory_space<semaphore_mem>>
      %dma_start3A_381 = arith.constant 0 : i32
      %dma_start3A_382 = arith.constant 0 : i32
      %dma_start3A_383 = tpu.memref_slice %arg6[%dma_start3A_370, %dma_start3A_371, %dma_start3A_381, %dma_start3A_382] : memref<2x5x1x1024xi32, #tpu.memory_space<vmem>> -> memref<1x1x1x1024xi32, #tpu.memory_space<vmem>>
      %dma_start3A_384 = tpu.memref_squeeze %dma_start3A_383 : memref<1x1x1x1024xi32, #tpu.memory_space<vmem>> -> memref<1x1024xi32, #tpu.memory_space<vmem>>
      %dma_start3A_385 = arith.constant 0 : i32
      %dma_start3A_386 = tpu.memref_slice %arg3[%add3A_369, %dma_start3A_385] : memref<50x1024xi32, #tpu.memory_space<hbm>> -> memref<1x1024xi32, #tpu.memory_space<hbm>>
      tpu.enqueue_dma source(%dma_start3A_386 : memref<1x1024xi32, #tpu.memory_space<hbm>>) target(%dma_start3A_384 : memref<1x1024xi32, #tpu.memory_space<vmem>>) target_semaphore(%dma_start3A_380 : memref<!tpu.dma_semaphore, #tpu.memory_space<semaphore_mem>>)
      %add3A_387 = arith.constant 3 : i32
      %add3A_388 = arith.addi %mul3A_266, %add3A_387 : i32
      %dma_start3A_389 = arith.constant 0 : i32
      %dma_start3A_390 = arith.constant 3 : i32
      %dma_start3A_391 = arith.constant 0 : i32
      %dma_start3A_392 = arith.constant 0 : i32
      %dma_start3A_393 = arith.constant 0 : i32
      %dma_start3A_394 = tpu.memref_slice %arg6[%dma_start3A_389, %dma_start3A_390, %dma_start3A_392, %dma_start3A_393] : memref<2x5x1x1024xi32, #tpu.memory_space<vmem>> -> memref<1x1x1x1024xi32, #tpu.memory_space<vmem>>
      %dma_start3A_395 = tpu.memref_squeeze %dma_start3A_394 : memref<1x1x1x1024xi32, #tpu.memory_space<vmem>> -> memref<1x1024xi32, #tpu.memory_space<vmem>>
      %dma_start3A_396 = arith.constant 0 : i32
      %dma_start3A_397 = tpu.memref_slice %arg3[%add3A_388, %dma_start3A_396] : memref<50x1024xi32, #tpu.memory_space<hbm>> -> memref<1x1024xi32, #tpu.memory_space<hbm>>
      %dma_start3A_398 = tpu.memref_slice %arg8[%dma_start3A_391] : memref<2x!tpu.dma_semaphore, #tpu.memory_space<semaphore_mem>> -> memref<1x!tpu.dma_semaphore, #tpu.memory_space<semaphore_mem>>
      %dma_start3A_399 = tpu.memref_squeeze %dma_start3A_398 : memref<1x!tpu.dma_semaphore, #tpu.memory_space<semaphore_mem>> -> memref<!tpu.dma_semaphore, #tpu.memory_space<semaphore_mem>>
      %dma_start3A_400 = arith.constant 0 : i32
      %dma_start3A_401 = arith.constant 0 : i32
      %dma_start3A_402 = tpu.memref_slice %arg6[%dma_start3A_389, %dma_start3A_390, %dma_start3A_400, %dma_start3A_401] : memref<2x5x1x1024xi32, #tpu.memory_space<vmem>> -> memref<1x1x1x1024xi32, #tpu.memory_space<vmem>>
      %dma_start3A_403 = tpu.memref_squeeze %dma_start3A_402 : memref<1x1x1x1024xi32, #tpu.memory_space<vmem>> -> memref<1x1024xi32, #tpu.memory_space<vmem>>
      %dma_start3A_404 = arith.constant 0 : i32
      %dma_start3A_405 = tpu.memref_slice %arg3[%add3A_388, %dma_start3A_404] : memref<50x1024xi32, #tpu.memory_space<hbm>> -> memref<1x1024xi32, #tpu.memory_space<hbm>>
      tpu.enqueue_dma source(%dma_start3A_405 : memref<1x1024xi32, #tpu.memory_space<hbm>>) target(%dma_start3A_403 : memref<1x1024xi32, #tpu.memory_space<vmem>>) target_semaphore(%dma_start3A_399 : memref<!tpu.dma_semaphore, #tpu.memory_space<semaphore_mem>>)
      %add3A_406 = arith.constant 5 : i32
      %add3A_407 = arith.addi %mul3A_266, %add3A_406 : i32
      %add3A_408 = arith.constant 3 : i32
      %add3A_409 = arith.addi %add3A_407, %add3A_408 : i32
      %dma_start3A_410 = arith.constant 1 : i32
      %dma_start3A_411 = arith.constant 3 : i32
      %dma_start3A_412 = arith.constant 1 : i32
      %dma_start3A_413 = arith.constant 0 : i32
      %dma_start3A_414 = arith.constant 0 : i32
      %dma_start3A_415 = tpu.memref_slice %arg6[%dma_start3A_410, %dma_start3A_411, %dma_start3A_413, %dma_start3A_414] : memref<2x5x1x1024xi32, #tpu.memory_space<vmem>> -> memref<1x1x1x1024xi32, #tpu.memory_space<vmem>>
      %dma_start3A_416 = tpu.memref_squeeze %dma_start3A_415 : memref<1x1x1x1024xi32, #tpu.memory_space<vmem>> -> memref<1x1024xi32, #tpu.memory_space<vmem>>
      %dma_start3A_417 = arith.constant 0 : i32
      %dma_start3A_418 = tpu.memref_slice %arg3[%add3A_409, %dma_start3A_417] : memref<50x1024xi32, #tpu.memory_space<hbm>> -> memref<1x1024xi32, #tpu.memory_space<hbm>>
      %dma_start3A_419 = tpu.memref_slice %arg8[%dma_start3A_412] : memref<2x!tpu.dma_semaphore, #tpu.memory_space<semaphore_mem>> -> memref<1x!tpu.dma_semaphore, #tpu.memory_space<semaphore_mem>>
      %dma_start3A_420 = tpu.memref_squeeze %dma_start3A_419 : memref<1x!tpu.dma_semaphore, #tpu.memory_space<semaphore_mem>> -> memref<!tpu.dma_semaphore, #tpu.memory_space<semaphore_mem>>
      %dma_start3A_421 = arith.constant 0 : i32
      %dma_start3A_422 = arith.constant 0 : i32
      %dma_start3A_423 = tpu.memref_slice %arg6[%dma_start3A_410, %dma_start3A_411, %dma_start3A_421, %dma_start3A_422] : memref<2x5x1x1024xi32, #tpu.memory_space<vmem>> -> memref<1x1x1x1024xi32, #tpu.memory_space<vmem>>
      %dma_start3A_424 = tpu.memref_squeeze %dma_start3A_423 : memref<1x1x1x1024xi32, #tpu.memory_space<vmem>> -> memref<1x1024xi32, #tpu.memory_space<vmem>>
      %dma_start3A_425 = arith.constant 0 : i32
      %dma_start3A_426 = tpu.memref_slice %arg3[%add3A_409, %dma_start3A_425] : memref<50x1024xi32, #tpu.memory_space<hbm>> -> memref<1x1024xi32, #tpu.memory_space<hbm>>
      tpu.enqueue_dma source(%dma_start3A_426 : memref<1x1024xi32, #tpu.memory_space<hbm>>) target(%dma_start3A_424 : memref<1x1024xi32, #tpu.memory_space<vmem>>) target_semaphore(%dma_start3A_420 : memref<!tpu.dma_semaphore, #tpu.memory_space<semaphore_mem>>)
      %add3A_427 = arith.constant 4 : i32
      %add3A_428 = arith.addi %mul3A_266, %add3A_427 : i32
      %dma_start3A_429 = arith.constant 0 : i32
      %dma_start3A_430 = arith.constant 4 : i32
      %dma_start3A_431 = arith.constant 0 : i32
      %dma_start3A_432 = arith.constant 0 : i32
      %dma_start3A_433 = arith.constant 0 : i32
      %dma_start3A_434 = tpu.memref_slice %arg6[%dma_start3A_429, %dma_start3A_430, %dma_start3A_432, %dma_start3A_433] : memref<2x5x1x1024xi32, #tpu.memory_space<vmem>> -> memref<1x1x1x1024xi32, #tpu.memory_space<vmem>>
      %dma_start3A_435 = tpu.memref_squeeze %dma_start3A_434 : memref<1x1x1x1024xi32, #tpu.memory_space<vmem>> -> memref<1x1024xi32, #tpu.memory_space<vmem>>
      %dma_start3A_436 = arith.constant 0 : i32
      %dma_start3A_437 = tpu.memref_slice %arg3[%add3A_428, %dma_start3A_436] : memref<50x1024xi32, #tpu.memory_space<hbm>> -> memref<1x1024xi32, #tpu.memory_space<hbm>>
      %dma_start3A_438 = tpu.memref_slice %arg8[%dma_start3A_431] : memref<2x!tpu.dma_semaphore, #tpu.memory_space<semaphore_mem>> -> memref<1x!tpu.dma_semaphore, #tpu.memory_space<semaphore_mem>>
      %dma_start3A_439 = tpu.memref_squeeze %dma_start3A_438 : memref<1x!tpu.dma_semaphore, #tpu.memory_space<semaphore_mem>> -> memref<!tpu.dma_semaphore, #tpu.memory_space<semaphore_mem>>
      %dma_start3A_440 = arith.constant 0 : i32
      %dma_start3A_441 = arith.constant 0 : i32
      %dma_start3A_442 = tpu.memref_slice %arg6[%dma_start3A_429, %dma_start3A_430, %dma_start3A_440, %dma_start3A_441] : memref<2x5x1x1024xi32, #tpu.memory_space<vmem>> -> memref<1x1x1x1024xi32, #tpu.memory_space<vmem>>
      %dma_start3A_443 = tpu.memref_squeeze %dma_start3A_442 : memref<1x1x1x1024xi32, #tpu.memory_space<vmem>> -> memref<1x1024xi32, #tpu.memory_space<vmem>>
      %dma_start3A_444 = arith.constant 0 : i32
      %dma_start3A_445 = tpu.memref_slice %arg3[%add3A_428, %dma_start3A_444] : memref<50x1024xi32, #tpu.memory_space<hbm>> -> memref<1x1024xi32, #tpu.memory_space<hbm>>
      tpu.enqueue_dma source(%dma_start3A_445 : memref<1x1024xi32, #tpu.memory_space<hbm>>) target(%dma_start3A_443 : memref<1x1024xi32, #tpu.memory_space<vmem>>) target_semaphore(%dma_start3A_439 : memref<!tpu.dma_semaphore, #tpu.memory_space<semaphore_mem>>)
      %add3A_446 = arith.constant 5 : i32
      %add3A_447 = arith.addi %mul3A_266, %add3A_446 : i32
      %add3A_448 = arith.constant 4 : i32
      %add3A_449 = arith.addi %add3A_447, %add3A_448 : i32
      %dma_start3A_450 = arith.constant 1 : i32
      %dma_start3A_451 = arith.constant 4 : i32
      %dma_start3A_452 = arith.constant 1 : i32
      %dma_start3A_453 = arith.constant 0 : i32
      %dma_start3A_454 = arith.constant 0 : i32
      %dma_start3A_455 = tpu.memref_slice %arg6[%dma_start3A_450, %dma_start3A_451, %dma_start3A_453, %dma_start3A_454] : memref<2x5x1x1024xi32, #tpu.memory_space<vmem>> -> memref<1x1x1x1024xi32, #tpu.memory_space<vmem>>
      %dma_start3A_456 = tpu.memref_squeeze %dma_start3A_455 : memref<1x1x1x1024xi32, #tpu.memory_space<vmem>> -> memref<1x1024xi32, #tpu.memory_space<vmem>>
      %dma_start3A_457 = arith.constant 0 : i32
      %dma_start3A_458 = tpu.memref_slice %arg3[%add3A_449, %dma_start3A_457] : memref<50x1024xi32, #tpu.memory_space<hbm>> -> memref<1x1024xi32, #tpu.memory_space<hbm>>
      %dma_start3A_459 = tpu.memref_slice %arg8[%dma_start3A_452] : memref<2x!tpu.dma_semaphore, #tpu.memory_space<semaphore_mem>> -> memref<1x!tpu.dma_semaphore, #tpu.memory_space<semaphore_mem>>
      %dma_start3A_460 = tpu.memref_squeeze %dma_start3A_459 : memref<1x!tpu.dma_semaphore, #tpu.memory_space<semaphore_mem>> -> memref<!tpu.dma_semaphore, #tpu.memory_space<semaphore_mem>>
      %dma_start3A_461 = arith.constant 0 : i32
      %dma_start3A_462 = arith.constant 0 : i32
      %dma_start3A_463 = tpu.memref_slice %arg6[%dma_start3A_450, %dma_start3A_451, %dma_start3A_461, %dma_start3A_462] : memref<2x5x1x1024xi32, #tpu.memory_space<vmem>> -> memref<1x1x1x1024xi32, #tpu.memory_space<vmem>>
      %dma_start3A_464 = tpu.memref_squeeze %dma_start3A_463 : memref<1x1x1x1024xi32, #tpu.memory_space<vmem>> -> memref<1x1024xi32, #tpu.memory_space<vmem>>
      %dma_start3A_465 = arith.constant 0 : i32
      %dma_start3A_466 = tpu.memref_slice %arg3[%add3A_449, %dma_start3A_465] : memref<50x1024xi32, #tpu.memory_space<hbm>> -> memref<1x1024xi32, #tpu.memory_space<hbm>>
      tpu.enqueue_dma source(%dma_start3A_466 : memref<1x1024xi32, #tpu.memory_space<hbm>>) target(%dma_start3A_464 : memref<1x1024xi32, #tpu.memory_space<vmem>>) target_semaphore(%dma_start3A_460 : memref<!tpu.dma_semaphore, #tpu.memory_space<semaphore_mem>>)
      %gt3A = arith.constant 0 : i32
      %gt3A_467 = arith.cmpi sgt, %scan3A_224, %gt3A : i32
      %convert_element_type3A = arith.extui %gt3A_467 : i1 to i32
      %cond3A = arith.constant 0 : i32
      %cond3A_468 = arith.cmpi ne, %convert_element_type3A, %cond3A : i32
      scf.if %cond3A_468 {
        %dma_wait3A_480 = arith.constant 0 : i32
        %dma_wait3A_481 = arith.constant 0 : i32
        %dma_wait3A_482 = arith.constant 0 : i32
        %dma_wait3A_483 = arith.constant 0 : i32
        %dma_wait3A_484 = arith.constant 0 : i32
        %dma_wait3A_485 = arith.constant 0 : i32
        %dma_wait3A_486 = tpu.memref_slice %arg7[%dma_wait3A_480, %dma_wait3A_481, %dma_wait3A_484, %dma_wait3A_485] : memref<2x5x1x1024xf32, #tpu.memory_space<vmem>> -> memref<1x1x1x1024xf32, #tpu.memory_space<vmem>>
        %dma_wait3A_487 = tpu.memref_squeeze %dma_wait3A_486 : memref<1x1x1x1024xf32, #tpu.memory_space<vmem>> -> memref<1x1024xf32, #tpu.memory_space<vmem>>
        %dma_wait3A_488 = arith.constant 0 : i32
        %dma_wait3A_489 = arith.constant 0 : i32
        %dma_wait3A_490 = tpu.memref_slice %arg4[%dma_wait3A_482, %dma_wait3A_488, %dma_wait3A_489] : memref<400x8x1024xf32, #tpu.memory_space<hbm>> -> memref<1x1x1024xf32, #tpu.memory_space<hbm>>
        %dma_wait3A_491 = tpu.memref_squeeze %dma_wait3A_490 : memref<1x1x1024xf32, #tpu.memory_space<hbm>> -> memref<1x1024xf32, #tpu.memory_space<hbm>>
        %dma_wait3A_492 = tpu.memref_slice %arg9[%dma_wait3A_483] : memref<2x!tpu.dma_semaphore, #tpu.memory_space<semaphore_mem>> -> memref<1x!tpu.dma_semaphore, #tpu.memory_space<semaphore_mem>>
        %dma_wait3A_493 = tpu.memref_squeeze %dma_wait3A_492 : memref<1x!tpu.dma_semaphore, #tpu.memory_space<semaphore_mem>> -> memref<!tpu.dma_semaphore, #tpu.memory_space<semaphore_mem>>
        %dma_wait3A_494 = arith.constant 0 : i32
        %dma_wait3A_495 = arith.constant 0 : i32
        %dma_wait3A_496 = tpu.memref_slice %arg4[%dma_wait3A_482, %dma_wait3A_494, %dma_wait3A_495] : memref<400x8x1024xf32, #tpu.memory_space<hbm>> -> memref<1x1x1024xf32, #tpu.memory_space<hbm>>
        %dma_wait3A_497 = tpu.memref_squeeze %dma_wait3A_496 : memref<1x1x1024xf32, #tpu.memory_space<hbm>> -> memref<1x1024xf32, #tpu.memory_space<hbm>>
        %dma_wait3A_498 = arith.constant 0 : i32
        %dma_wait3A_499 = arith.constant 0 : i32
        %dma_wait3A_500 = tpu.memref_slice %arg7[%dma_wait3A_480, %dma_wait3A_481, %dma_wait3A_498, %dma_wait3A_499] : memref<2x5x1x1024xf32, #tpu.memory_space<vmem>> -> memref<1x1x1x1024xf32, #tpu.memory_space<vmem>>
        %dma_wait3A_501 = tpu.memref_squeeze %dma_wait3A_500 : memref<1x1x1x1024xf32, #tpu.memory_space<vmem>> -> memref<1x1024xf32, #tpu.memory_space<vmem>>
        tpu.wait_dma2 semaphore(%dma_wait3A_493 : memref<!tpu.dma_semaphore, #tpu.memory_space<semaphore_mem>>) src(%dma_wait3A_501 : memref<1x1024xf32, #tpu.memory_space<vmem>>) dst(%dma_wait3A_497 : memref<1x1024xf32, #tpu.memory_space<hbm>>)
        %dma_wait3A_502 = arith.constant 0 : i32
        %dma_wait3A_503 = arith.constant 0 : i32
        %dma_wait3A_504 = arith.constant 0 : i32
        %dma_wait3A_505 = arith.constant 0 : i32
        %dma_wait3A_506 = arith.constant 0 : i32
        %dma_wait3A_507 = arith.constant 0 : i32
        %dma_wait3A_508 = tpu.memref_slice %arg7[%dma_wait3A_502, %dma_wait3A_503, %dma_wait3A_506, %dma_wait3A_507] : memref<2x5x1x1024xf32, #tpu.memory_space<vmem>> -> memref<1x1x1x1024xf32, #tpu.memory_space<vmem>>
        %dma_wait3A_509 = tpu.memref_squeeze %dma_wait3A_508 : memref<1x1x1x1024xf32, #tpu.memory_space<vmem>> -> memref<1x1024xf32, #tpu.memory_space<vmem>>
        %dma_wait3A_510 = arith.constant 0 : i32
        %dma_wait3A_511 = arith.constant 0 : i32
        %dma_wait3A_512 = tpu.memref_slice %arg4[%dma_wait3A_504, %dma_wait3A_510, %dma_wait3A_511] : memref<400x8x1024xf32, #tpu.memory_space<hbm>> -> memref<1x1x1024xf32, #tpu.memory_space<hbm>>
        %dma_wait3A_513 = tpu.memref_squeeze %dma_wait3A_512 : memref<1x1x1024xf32, #tpu.memory_space<hbm>> -> memref<1x1024xf32, #tpu.memory_space<hbm>>
        %dma_wait3A_514 = tpu.memref_slice %arg9[%dma_wait3A_505] : memref<2x!tpu.dma_semaphore, #tpu.memory_space<semaphore_mem>> -> memref<1x!tpu.dma_semaphore, #tpu.memory_space<semaphore_mem>>
        %dma_wait3A_515 = tpu.memref_squeeze %dma_wait3A_514 : memref<1x!tpu.dma_semaphore, #tpu.memory_space<semaphore_mem>> -> memref<!tpu.dma_semaphore, #tpu.memory_space<semaphore_mem>>
        %dma_wait3A_516 = arith.constant 0 : i32
        %dma_wait3A_517 = arith.constant 0 : i32
        %dma_wait3A_518 = tpu.memref_slice %arg4[%dma_wait3A_504, %dma_wait3A_516, %dma_wait3A_517] : memref<400x8x1024xf32, #tpu.memory_space<hbm>> -> memref<1x1x1024xf32, #tpu.memory_space<hbm>>
        %dma_wait3A_519 = tpu.memref_squeeze %dma_wait3A_518 : memref<1x1x1024xf32, #tpu.memory_space<hbm>> -> memref<1x1024xf32, #tpu.memory_space<hbm>>
        %dma_wait3A_520 = arith.constant 0 : i32
        %dma_wait3A_521 = arith.constant 0 : i32
        %dma_wait3A_522 = tpu.memref_slice %arg7[%dma_wait3A_502, %dma_wait3A_503, %dma_wait3A_520, %dma_wait3A_521] : memref<2x5x1x1024xf32, #tpu.memory_space<vmem>> -> memref<1x1x1x1024xf32, #tpu.memory_space<vmem>>
        %dma_wait3A_523 = tpu.memref_squeeze %dma_wait3A_522 : memref<1x1x1x1024xf32, #tpu.memory_space<vmem>> -> memref<1x1024xf32, #tpu.memory_space<vmem>>
        tpu.wait_dma2 semaphore(%dma_wait3A_515 : memref<!tpu.dma_semaphore, #tpu.memory_space<semaphore_mem>>) src(%dma_wait3A_523 : memref<1x1024xf32, #tpu.memory_space<vmem>>) dst(%dma_wait3A_519 : memref<1x1024xf32, #tpu.memory_space<hbm>>)
        %dma_wait3A_524 = arith.constant 0 : i32
        %dma_wait3A_525 = arith.constant 0 : i32
        %dma_wait3A_526 = arith.constant 0 : i32
        %dma_wait3A_527 = arith.constant 0 : i32
        %dma_wait3A_528 = arith.constant 0 : i32
        %dma_wait3A_529 = arith.constant 0 : i32
        %dma_wait3A_530 = tpu.memref_slice %arg7[%dma_wait3A_524, %dma_wait3A_525, %dma_wait3A_528, %dma_wait3A_529] : memref<2x5x1x1024xf32, #tpu.memory_space<vmem>> -> memref<1x1x1x1024xf32, #tpu.memory_space<vmem>>
        %dma_wait3A_531 = tpu.memref_squeeze %dma_wait3A_530 : memref<1x1x1x1024xf32, #tpu.memory_space<vmem>> -> memref<1x1024xf32, #tpu.memory_space<vmem>>
        %dma_wait3A_532 = arith.constant 0 : i32
        %dma_wait3A_533 = arith.constant 0 : i32
        %dma_wait3A_534 = tpu.memref_slice %arg4[%dma_wait3A_526, %dma_wait3A_532, %dma_wait3A_533] : memref<400x8x1024xf32, #tpu.memory_space<hbm>> -> memref<1x1x1024xf32, #tpu.memory_space<hbm>>
        %dma_wait3A_535 = tpu.memref_squeeze %dma_wait3A_534 : memref<1x1x1024xf32, #tpu.memory_space<hbm>> -> memref<1x1024xf32, #tpu.memory_space<hbm>>
        %dma_wait3A_536 = tpu.memref_slice %arg9[%dma_wait3A_527] : memref<2x!tpu.dma_semaphore, #tpu.memory_space<semaphore_mem>> -> memref<1x!tpu.dma_semaphore, #tpu.memory_space<semaphore_mem>>
        %dma_wait3A_537 = tpu.memref_squeeze %dma_wait3A_536 : memref<1x!tpu.dma_semaphore, #tpu.memory_space<semaphore_mem>> -> memref<!tpu.dma_semaphore, #tpu.memory_space<semaphore_mem>>
        %dma_wait3A_538 = arith.constant 0 : i32
        %dma_wait3A_539 = arith.constant 0 : i32
        %dma_wait3A_540 = tpu.memref_slice %arg4[%dma_wait3A_526, %dma_wait3A_538, %dma_wait3A_539] : memref<400x8x1024xf32, #tpu.memory_space<hbm>> -> memref<1x1x1024xf32, #tpu.memory_space<hbm>>
        %dma_wait3A_541 = tpu.memref_squeeze %dma_wait3A_540 : memref<1x1x1024xf32, #tpu.memory_space<hbm>> -> memref<1x1024xf32, #tpu.memory_space<hbm>>
        %dma_wait3A_542 = arith.constant 0 : i32
        %dma_wait3A_543 = arith.constant 0 : i32
        %dma_wait3A_544 = tpu.memref_slice %arg7[%dma_wait3A_524, %dma_wait3A_525, %dma_wait3A_542, %dma_wait3A_543] : memref<2x5x1x1024xf32, #tpu.memory_space<vmem>> -> memref<1x1x1x1024xf32, #tpu.memory_space<vmem>>
        %dma_wait3A_545 = tpu.memref_squeeze %dma_wait3A_544 : memref<1x1x1x1024xf32, #tpu.memory_space<vmem>> -> memref<1x1024xf32, #tpu.memory_space<vmem>>
        tpu.wait_dma2 semaphore(%dma_wait3A_537 : memref<!tpu.dma_semaphore, #tpu.memory_space<semaphore_mem>>) src(%dma_wait3A_545 : memref<1x1024xf32, #tpu.memory_space<vmem>>) dst(%dma_wait3A_541 : memref<1x1024xf32, #tpu.memory_space<hbm>>)
        %dma_wait3A_546 = arith.constant 0 : i32
        %dma_wait3A_547 = arith.constant 0 : i32
        %dma_wait3A_548 = arith.constant 0 : i32
        %dma_wait3A_549 = arith.constant 0 : i32
        %dma_wait3A_550 = arith.constant 0 : i32
        %dma_wait3A_551 = arith.constant 0 : i32
        %dma_wait3A_552 = tpu.memref_slice %arg7[%dma_wait3A_546, %dma_wait3A_547, %dma_wait3A_550, %dma_wait3A_551] : memref<2x5x1x1024xf32, #tpu.memory_space<vmem>> -> memref<1x1x1x1024xf32, #tpu.memory_space<vmem>>
        %dma_wait3A_553 = tpu.memref_squeeze %dma_wait3A_552 : memref<1x1x1x1024xf32, #tpu.memory_space<vmem>> -> memref<1x1024xf32, #tpu.memory_space<vmem>>
        %dma_wait3A_554 = arith.constant 0 : i32
        %dma_wait3A_555 = arith.constant 0 : i32
        %dma_wait3A_556 = tpu.memref_slice %arg4[%dma_wait3A_548, %dma_wait3A_554, %dma_wait3A_555] : memref<400x8x1024xf32, #tpu.memory_space<hbm>> -> memref<1x1x1024xf32, #tpu.memory_space<hbm>>
        %dma_wait3A_557 = tpu.memref_squeeze %dma_wait3A_556 : memref<1x1x1024xf32, #tpu.memory_space<hbm>> -> memref<1x1024xf32, #tpu.memory_space<hbm>>
        %dma_wait3A_558 = tpu.memref_slice %arg9[%dma_wait3A_549] : memref<2x!tpu.dma_semaphore, #tpu.memory_space<semaphore_mem>> -> memref<1x!tpu.dma_semaphore, #tpu.memory_space<semaphore_mem>>
        %dma_wait3A_559 = tpu.memref_squeeze %dma_wait3A_558 : memref<1x!tpu.dma_semaphore, #tpu.memory_space<semaphore_mem>> -> memref<!tpu.dma_semaphore, #tpu.memory_space<semaphore_mem>>
        %dma_wait3A_560 = arith.constant 0 : i32
        %dma_wait3A_561 = arith.constant 0 : i32
        %dma_wait3A_562 = tpu.memref_slice %arg4[%dma_wait3A_548, %dma_wait3A_560, %dma_wait3A_561] : memref<400x8x1024xf32, #tpu.memory_space<hbm>> -> memref<1x1x1024xf32, #tpu.memory_space<hbm>>
        %dma_wait3A_563 = tpu.memref_squeeze %dma_wait3A_562 : memref<1x1x1024xf32, #tpu.memory_space<hbm>> -> memref<1x1024xf32, #tpu.memory_space<hbm>>
        %dma_wait3A_564 = arith.constant 0 : i32
        %dma_wait3A_565 = arith.constant 0 : i32
        %dma_wait3A_566 = tpu.memref_slice %arg7[%dma_wait3A_546, %dma_wait3A_547, %dma_wait3A_564, %dma_wait3A_565] : memref<2x5x1x1024xf32, #tpu.memory_space<vmem>> -> memref<1x1x1x1024xf32, #tpu.memory_space<vmem>>
        %dma_wait3A_567 = tpu.memref_squeeze %dma_wait3A_566 : memref<1x1x1x1024xf32, #tpu.memory_space<vmem>> -> memref<1x1024xf32, #tpu.memory_space<vmem>>
        tpu.wait_dma2 semaphore(%dma_wait3A_559 : memref<!tpu.dma_semaphore, #tpu.memory_space<semaphore_mem>>) src(%dma_wait3A_567 : memref<1x1024xf32, #tpu.memory_space<vmem>>) dst(%dma_wait3A_563 : memref<1x1024xf32, #tpu.memory_space<hbm>>)
        %dma_wait3A_568 = arith.constant 0 : i32
        %dma_wait3A_569 = arith.constant 0 : i32
        %dma_wait3A_570 = arith.constant 0 : i32
        %dma_wait3A_571 = arith.constant 0 : i32
        %dma_wait3A_572 = arith.constant 0 : i32
        %dma_wait3A_573 = arith.constant 0 : i32
        %dma_wait3A_574 = tpu.memref_slice %arg7[%dma_wait3A_568, %dma_wait3A_569, %dma_wait3A_572, %dma_wait3A_573] : memref<2x5x1x1024xf32, #tpu.memory_space<vmem>> -> memref<1x1x1x1024xf32, #tpu.memory_space<vmem>>
        %dma_wait3A_575 = tpu.memref_squeeze %dma_wait3A_574 : memref<1x1x1x1024xf32, #tpu.memory_space<vmem>> -> memref<1x1024xf32, #tpu.memory_space<vmem>>
        %dma_wait3A_576 = arith.constant 0 : i32
        %dma_wait3A_577 = arith.constant 0 : i32
        %dma_wait3A_578 = tpu.memref_slice %arg4[%dma_wait3A_570, %dma_wait3A_576, %dma_wait3A_577] : memref<400x8x1024xf32, #tpu.memory_space<hbm>> -> memref<1x1x1024xf32, #tpu.memory_space<hbm>>
        %dma_wait3A_579 = tpu.memref_squeeze %dma_wait3A_578 : memref<1x1x1024xf32, #tpu.memory_space<hbm>> -> memref<1x1024xf32, #tpu.memory_space<hbm>>
        %dma_wait3A_580 = tpu.memref_slice %arg9[%dma_wait3A_571] : memref<2x!tpu.dma_semaphore, #tpu.memory_space<semaphore_mem>> -> memref<1x!tpu.dma_semaphore, #tpu.memory_space<semaphore_mem>>
        %dma_wait3A_581 = tpu.memref_squeeze %dma_wait3A_580 : memref<1x!tpu.dma_semaphore, #tpu.memory_space<semaphore_mem>> -> memref<!tpu.dma_semaphore, #tpu.memory_space<semaphore_mem>>
        %dma_wait3A_582 = arith.constant 0 : i32
        %dma_wait3A_583 = arith.constant 0 : i32
        %dma_wait3A_584 = tpu.memref_slice %arg4[%dma_wait3A_570, %dma_wait3A_582, %dma_wait3A_583] : memref<400x8x1024xf32, #tpu.memory_space<hbm>> -> memref<1x1x1024xf32, #tpu.memory_space<hbm>>
        %dma_wait3A_585 = tpu.memref_squeeze %dma_wait3A_584 : memref<1x1x1024xf32, #tpu.memory_space<hbm>> -> memref<1x1024xf32, #tpu.memory_space<hbm>>
        %dma_wait3A_586 = arith.constant 0 : i32
        %dma_wait3A_587 = arith.constant 0 : i32
        %dma_wait3A_588 = tpu.memref_slice %arg7[%dma_wait3A_568, %dma_wait3A_569, %dma_wait3A_586, %dma_wait3A_587] : memref<2x5x1x1024xf32, #tpu.memory_space<vmem>> -> memref<1x1x1x1024xf32, #tpu.memory_space<vmem>>
        %dma_wait3A_589 = tpu.memref_squeeze %dma_wait3A_588 : memref<1x1x1x1024xf32, #tpu.memory_space<vmem>> -> memref<1x1024xf32, #tpu.memory_space<vmem>>
        tpu.wait_dma2 semaphore(%dma_wait3A_581 : memref<!tpu.dma_semaphore, #tpu.memory_space<semaphore_mem>>) src(%dma_wait3A_589 : memref<1x1024xf32, #tpu.memory_space<vmem>>) dst(%dma_wait3A_585 : memref<1x1024xf32, #tpu.memory_space<hbm>>)
        %dma_wait3A_590 = arith.constant 1 : i32
        %dma_wait3A_591 = arith.constant 0 : i32
        %dma_wait3A_592 = arith.constant 0 : i32
        %dma_wait3A_593 = arith.constant 1 : i32
        %dma_wait3A_594 = arith.constant 0 : i32
        %dma_wait3A_595 = arith.constant 0 : i32
        %dma_wait3A_596 = tpu.memref_slice %arg7[%dma_wait3A_590, %dma_wait3A_591, %dma_wait3A_594, %dma_wait3A_595] : memref<2x5x1x1024xf32, #tpu.memory_space<vmem>> -> memref<1x1x1x1024xf32, #tpu.memory_space<vmem>>
        %dma_wait3A_597 = tpu.memref_squeeze %dma_wait3A_596 : memref<1x1x1x1024xf32, #tpu.memory_space<vmem>> -> memref<1x1024xf32, #tpu.memory_space<vmem>>
        %dma_wait3A_598 = arith.constant 0 : i32
        %dma_wait3A_599 = arith.constant 0 : i32
        %dma_wait3A_600 = tpu.memref_slice %arg4[%dma_wait3A_592, %dma_wait3A_598, %dma_wait3A_599] : memref<400x8x1024xf32, #tpu.memory_space<hbm>> -> memref<1x1x1024xf32, #tpu.memory_space<hbm>>
        %dma_wait3A_601 = tpu.memref_squeeze %dma_wait3A_600 : memref<1x1x1024xf32, #tpu.memory_space<hbm>> -> memref<1x1024xf32, #tpu.memory_space<hbm>>
        %dma_wait3A_602 = tpu.memref_slice %arg9[%dma_wait3A_593] : memref<2x!tpu.dma_semaphore, #tpu.memory_space<semaphore_mem>> -> memref<1x!tpu.dma_semaphore, #tpu.memory_space<semaphore_mem>>
        %dma_wait3A_603 = tpu.memref_squeeze %dma_wait3A_602 : memref<1x!tpu.dma_semaphore, #tpu.memory_space<semaphore_mem>> -> memref<!tpu.dma_semaphore, #tpu.memory_space<semaphore_mem>>
        %dma_wait3A_604 = arith.constant 0 : i32
        %dma_wait3A_605 = arith.constant 0 : i32
        %dma_wait3A_606 = tpu.memref_slice %arg4[%dma_wait3A_592, %dma_wait3A_604, %dma_wait3A_605] : memref<400x8x1024xf32, #tpu.memory_space<hbm>> -> memref<1x1x1024xf32, #tpu.memory_space<hbm>>
        %dma_wait3A_607 = tpu.memref_squeeze %dma_wait3A_606 : memref<1x1x1024xf32, #tpu.memory_space<hbm>> -> memref<1x1024xf32, #tpu.memory_space<hbm>>
        %dma_wait3A_608 = arith.constant 0 : i32
        %dma_wait3A_609 = arith.constant 0 : i32
        %dma_wait3A_610 = tpu.memref_slice %arg7[%dma_wait3A_590, %dma_wait3A_591, %dma_wait3A_608, %dma_wait3A_609] : memref<2x5x1x1024xf32, #tpu.memory_space<vmem>> -> memref<1x1x1x1024xf32, #tpu.memory_space<vmem>>
        %dma_wait3A_611 = tpu.memref_squeeze %dma_wait3A_610 : memref<1x1x1x1024xf32, #tpu.memory_space<vmem>> -> memref<1x1024xf32, #tpu.memory_space<vmem>>
        tpu.wait_dma2 semaphore(%dma_wait3A_603 : memref<!tpu.dma_semaphore, #tpu.memory_space<semaphore_mem>>) src(%dma_wait3A_611 : memref<1x1024xf32, #tpu.memory_space<vmem>>) dst(%dma_wait3A_607 : memref<1x1024xf32, #tpu.memory_space<hbm>>)
        %dma_wait3A_612 = arith.constant 1 : i32
        %dma_wait3A_613 = arith.constant 0 : i32
        %dma_wait3A_614 = arith.constant 0 : i32
        %dma_wait3A_615 = arith.constant 1 : i32
        %dma_wait3A_616 = arith.constant 0 : i32
        %dma_wait3A_617 = arith.constant 0 : i32
        %dma_wait3A_618 = tpu.memref_slice %arg7[%dma_wait3A_612, %dma_wait3A_613, %dma_wait3A_616, %dma_wait3A_617] : memref<2x5x1x1024xf32, #tpu.memory_space<vmem>> -> memref<1x1x1x1024xf32, #tpu.memory_space<vmem>>
        %dma_wait3A_619 = tpu.memref_squeeze %dma_wait3A_618 : memref<1x1x1x1024xf32, #tpu.memory_space<vmem>> -> memref<1x1024xf32, #tpu.memory_space<vmem>>
        %dma_wait3A_620 = arith.constant 0 : i32
        %dma_wait3A_621 = arith.constant 0 : i32
        %dma_wait3A_622 = tpu.memref_slice %arg4[%dma_wait3A_614, %dma_wait3A_620, %dma_wait3A_621] : memref<400x8x1024xf32, #tpu.memory_space<hbm>> -> memref<1x1x1024xf32, #tpu.memory_space<hbm>>
        %dma_wait3A_623 = tpu.memref_squeeze %dma_wait3A_622 : memref<1x1x1024xf32, #tpu.memory_space<hbm>> -> memref<1x1024xf32, #tpu.memory_space<hbm>>
        %dma_wait3A_624 = tpu.memref_slice %arg9[%dma_wait3A_615] : memref<2x!tpu.dma_semaphore, #tpu.memory_space<semaphore_mem>> -> memref<1x!tpu.dma_semaphore, #tpu.memory_space<semaphore_mem>>
        %dma_wait3A_625 = tpu.memref_squeeze %dma_wait3A_624 : memref<1x!tpu.dma_semaphore, #tpu.memory_space<semaphore_mem>> -> memref<!tpu.dma_semaphore, #tpu.memory_space<semaphore_mem>>
        %dma_wait3A_626 = arith.constant 0 : i32
        %dma_wait3A_627 = arith.constant 0 : i32
        %dma_wait3A_628 = tpu.memref_slice %arg4[%dma_wait3A_614, %dma_wait3A_626, %dma_wait3A_627] : memref<400x8x1024xf32, #tpu.memory_space<hbm>> -> memref<1x1x1024xf32, #tpu.memory_space<hbm>>
        %dma_wait3A_629 = tpu.memref_squeeze %dma_wait3A_628 : memref<1x1x1024xf32, #tpu.memory_space<hbm>> -> memref<1x1024xf32, #tpu.memory_space<hbm>>
        %dma_wait3A_630 = arith.constant 0 : i32
        %dma_wait3A_631 = arith.constant 0 : i32
        %dma_wait3A_632 = tpu.memref_slice %arg7[%dma_wait3A_612, %dma_wait3A_613, %dma_wait3A_630, %dma_wait3A_631] : memref<2x5x1x1024xf32, #tpu.memory_space<vmem>> -> memref<1x1x1x1024xf32, #tpu.memory_space<vmem>>
        %dma_wait3A_633 = tpu.memref_squeeze %dma_wait3A_632 : memref<1x1x1x1024xf32, #tpu.memory_space<vmem>> -> memref<1x1024xf32, #tpu.memory_space<vmem>>
        tpu.wait_dma2 semaphore(%dma_wait3A_625 : memref<!tpu.dma_semaphore, #tpu.memory_space<semaphore_mem>>) src(%dma_wait3A_633 : memref<1x1024xf32, #tpu.memory_space<vmem>>) dst(%dma_wait3A_629 : memref<1x1024xf32, #tpu.memory_space<hbm>>)
        %dma_wait3A_634 = arith.constant 1 : i32
        %dma_wait3A_635 = arith.constant 0 : i32
        %dma_wait3A_636 = arith.constant 0 : i32
        %dma_wait3A_637 = arith.constant 1 : i32
        %dma_wait3A_638 = arith.constant 0 : i32
        %dma_wait3A_639 = arith.constant 0 : i32
        %dma_wait3A_640 = tpu.memref_slice %arg7[%dma_wait3A_634, %dma_wait3A_635, %dma_wait3A_638, %dma_wait3A_639] : memref<2x5x1x1024xf32, #tpu.memory_space<vmem>> -> memref<1x1x1x1024xf32, #tpu.memory_space<vmem>>
        %dma_wait3A_641 = tpu.memref_squeeze %dma_wait3A_640 : memref<1x1x1x1024xf32, #tpu.memory_space<vmem>> -> memref<1x1024xf32, #tpu.memory_space<vmem>>
        %dma_wait3A_642 = arith.constant 0 : i32
        %dma_wait3A_643 = arith.constant 0 : i32
        %dma_wait3A_644 = tpu.memref_slice %arg4[%dma_wait3A_636, %dma_wait3A_642, %dma_wait3A_643] : memref<400x8x1024xf32, #tpu.memory_space<hbm>> -> memref<1x1x1024xf32, #tpu.memory_space<hbm>>
        %dma_wait3A_645 = tpu.memref_squeeze %dma_wait3A_644 : memref<1x1x1024xf32, #tpu.memory_space<hbm>> -> memref<1x1024xf32, #tpu.memory_space<hbm>>
        %dma_wait3A_646 = tpu.memref_slice %arg9[%dma_wait3A_637] : memref<2x!tpu.dma_semaphore, #tpu.memory_space<semaphore_mem>> -> memref<1x!tpu.dma_semaphore, #tpu.memory_space<semaphore_mem>>
        %dma_wait3A_647 = tpu.memref_squeeze %dma_wait3A_646 : memref<1x!tpu.dma_semaphore, #tpu.memory_space<semaphore_mem>> -> memref<!tpu.dma_semaphore, #tpu.memory_space<semaphore_mem>>
        %dma_wait3A_648 = arith.constant 0 : i32
        %dma_wait3A_649 = arith.constant 0 : i32
        %dma_wait3A_650 = tpu.memref_slice %arg4[%dma_wait3A_636, %dma_wait3A_648, %dma_wait3A_649] : memref<400x8x1024xf32, #tpu.memory_space<hbm>> -> memref<1x1x1024xf32, #tpu.memory_space<hbm>>
        %dma_wait3A_651 = tpu.memref_squeeze %dma_wait3A_650 : memref<1x1x1024xf32, #tpu.memory_space<hbm>> -> memref<1x1024xf32, #tpu.memory_space<hbm>>
        %dma_wait3A_652 = arith.constant 0 : i32
        %dma_wait3A_653 = arith.constant 0 : i32
        %dma_wait3A_654 = tpu.memref_slice %arg7[%dma_wait3A_634, %dma_wait3A_635, %dma_wait3A_652, %dma_wait3A_653] : memref<2x5x1x1024xf32, #tpu.memory_space<vmem>> -> memref<1x1x1x1024xf32, #tpu.memory_space<vmem>>
        %dma_wait3A_655 = tpu.memref_squeeze %dma_wait3A_654 : memref<1x1x1x1024xf32, #tpu.memory_space<vmem>> -> memref<1x1024xf32, #tpu.memory_space<vmem>>
        tpu.wait_dma2 semaphore(%dma_wait3A_647 : memref<!tpu.dma_semaphore, #tpu.memory_space<semaphore_mem>>) src(%dma_wait3A_655 : memref<1x1024xf32, #tpu.memory_space<vmem>>) dst(%dma_wait3A_651 : memref<1x1024xf32, #tpu.memory_space<hbm>>)
        %dma_wait3A_656 = arith.constant 1 : i32
        %dma_wait3A_657 = arith.constant 0 : i32
        %dma_wait3A_658 = arith.constant 0 : i32
        %dma_wait3A_659 = arith.constant 1 : i32
        %dma_wait3A_660 = arith.constant 0 : i32
        %dma_wait3A_661 = arith.constant 0 : i32
        %dma_wait3A_662 = tpu.memref_slice %arg7[%dma_wait3A_656, %dma_wait3A_657, %dma_wait3A_660, %dma_wait3A_661] : memref<2x5x1x1024xf32, #tpu.memory_space<vmem>> -> memref<1x1x1x1024xf32, #tpu.memory_space<vmem>>
        %dma_wait3A_663 = tpu.memref_squeeze %dma_wait3A_662 : memref<1x1x1x1024xf32, #tpu.memory_space<vmem>> -> memref<1x1024xf32, #tpu.memory_space<vmem>>
        %dma_wait3A_664 = arith.constant 0 : i32
        %dma_wait3A_665 = arith.constant 0 : i32
        %dma_wait3A_666 = tpu.memref_slice %arg4[%dma_wait3A_658, %dma_wait3A_664, %dma_wait3A_665] : memref<400x8x1024xf32, #tpu.memory_space<hbm>> -> memref<1x1x1024xf32, #tpu.memory_space<hbm>>
        %dma_wait3A_667 = tpu.memref_squeeze %dma_wait3A_666 : memref<1x1x1024xf32, #tpu.memory_space<hbm>> -> memref<1x1024xf32, #tpu.memory_space<hbm>>
        %dma_wait3A_668 = tpu.memref_slice %arg9[%dma_wait3A_659] : memref<2x!tpu.dma_semaphore, #tpu.memory_space<semaphore_mem>> -> memref<1x!tpu.dma_semaphore, #tpu.memory_space<semaphore_mem>>
        %dma_wait3A_669 = tpu.memref_squeeze %dma_wait3A_668 : memref<1x!tpu.dma_semaphore, #tpu.memory_space<semaphore_mem>> -> memref<!tpu.dma_semaphore, #tpu.memory_space<semaphore_mem>>
        %dma_wait3A_670 = arith.constant 0 : i32
        %dma_wait3A_671 = arith.constant 0 : i32
        %dma_wait3A_672 = tpu.memref_slice %arg4[%dma_wait3A_658, %dma_wait3A_670, %dma_wait3A_671] : memref<400x8x1024xf32, #tpu.memory_space<hbm>> -> memref<1x1x1024xf32, #tpu.memory_space<hbm>>
        %dma_wait3A_673 = tpu.memref_squeeze %dma_wait3A_672 : memref<1x1x1024xf32, #tpu.memory_space<hbm>> -> memref<1x1024xf32, #tpu.memory_space<hbm>>
        %dma_wait3A_674 = arith.constant 0 : i32
        %dma_wait3A_675 = arith.constant 0 : i32
        %dma_wait3A_676 = tpu.memref_slice %arg7[%dma_wait3A_656, %dma_wait3A_657, %dma_wait3A_674, %dma_wait3A_675] : memref<2x5x1x1024xf32, #tpu.memory_space<vmem>> -> memref<1x1x1x1024xf32, #tpu.memory_space<vmem>>
        %dma_wait3A_677 = tpu.memref_squeeze %dma_wait3A_676 : memref<1x1x1x1024xf32, #tpu.memory_space<vmem>> -> memref<1x1024xf32, #tpu.memory_space<vmem>>
        tpu.wait_dma2 semaphore(%dma_wait3A_669 : memref<!tpu.dma_semaphore, #tpu.memory_space<semaphore_mem>>) src(%dma_wait3A_677 : memref<1x1024xf32, #tpu.memory_space<vmem>>) dst(%dma_wait3A_673 : memref<1x1024xf32, #tpu.memory_space<hbm>>)
        %dma_wait3A_678 = arith.constant 1 : i32
        %dma_wait3A_679 = arith.constant 0 : i32
        %dma_wait3A_680 = arith.constant 0 : i32
        %dma_wait3A_681 = arith.constant 1 : i32
        %dma_wait3A_682 = arith.constant 0 : i32
        %dma_wait3A_683 = arith.constant 0 : i32
        %dma_wait3A_684 = tpu.memref_slice %arg7[%dma_wait3A_678, %dma_wait3A_679, %dma_wait3A_682, %dma_wait3A_683] : memref<2x5x1x1024xf32, #tpu.memory_space<vmem>> -> memref<1x1x1x1024xf32, #tpu.memory_space<vmem>>
        %dma_wait3A_685 = tpu.memref_squeeze %dma_wait3A_684 : memref<1x1x1x1024xf32, #tpu.memory_space<vmem>> -> memref<1x1024xf32, #tpu.memory_space<vmem>>
        %dma_wait3A_686 = arith.constant 0 : i32
        %dma_wait3A_687 = arith.constant 0 : i32
        %dma_wait3A_688 = tpu.memref_slice %arg4[%dma_wait3A_680, %dma_wait3A_686, %dma_wait3A_687] : memref<400x8x1024xf32, #tpu.memory_space<hbm>> -> memref<1x1x1024xf32, #tpu.memory_space<hbm>>
        %dma_wait3A_689 = tpu.memref_squeeze %dma_wait3A_688 : memref<1x1x1024xf32, #tpu.memory_space<hbm>> -> memref<1x1024xf32, #tpu.memory_space<hbm>>
        %dma_wait3A_690 = tpu.memref_slice %arg9[%dma_wait3A_681] : memref<2x!tpu.dma_semaphore, #tpu.memory_space<semaphore_mem>> -> memref<1x!tpu.dma_semaphore, #tpu.memory_space<semaphore_mem>>
        %dma_wait3A_691 = tpu.memref_squeeze %dma_wait3A_690 : memref<1x!tpu.dma_semaphore, #tpu.memory_space<semaphore_mem>> -> memref<!tpu.dma_semaphore, #tpu.memory_space<semaphore_mem>>
        %dma_wait3A_692 = arith.constant 0 : i32
        %dma_wait3A_693 = arith.constant 0 : i32
        %dma_wait3A_694 = tpu.memref_slice %arg4[%dma_wait3A_680, %dma_wait3A_692, %dma_wait3A_693] : memref<400x8x1024xf32, #tpu.memory_space<hbm>> -> memref<1x1x1024xf32, #tpu.memory_space<hbm>>
        %dma_wait3A_695 = tpu.memref_squeeze %dma_wait3A_694 : memref<1x1x1024xf32, #tpu.memory_space<hbm>> -> memref<1x1024xf32, #tpu.memory_space<hbm>>
        %dma_wait3A_696 = arith.constant 0 : i32
        %dma_wait3A_697 = arith.constant 0 : i32
        %dma_wait3A_698 = tpu.memref_slice %arg7[%dma_wait3A_678, %dma_wait3A_679, %dma_wait3A_696, %dma_wait3A_697] : memref<2x5x1x1024xf32, #tpu.memory_space<vmem>> -> memref<1x1x1x1024xf32, #tpu.memory_space<vmem>>
        %dma_wait3A_699 = tpu.memref_squeeze %dma_wait3A_698 : memref<1x1x1x1024xf32, #tpu.memory_space<vmem>> -> memref<1x1024xf32, #tpu.memory_space<vmem>>
        tpu.wait_dma2 semaphore(%dma_wait3A_691 : memref<!tpu.dma_semaphore, #tpu.memory_space<semaphore_mem>>) src(%dma_wait3A_699 : memref<1x1024xf32, #tpu.memory_space<vmem>>) dst(%dma_wait3A_695 : memref<1x1024xf32, #tpu.memory_space<hbm>>)
      } else {
      }
      %dma_wait3A_469 = arith.constant 0 : i32
      %dma_wait3A_470 = tpu.memref_slice %arg2[%select_n3A, %select_n3A_259, %dma_wait3A_469] : memref<8x8x100000xf32, #tpu.memory_space<hbm>> -> memref<1x1x100000xf32, #tpu.memory_space<hbm>>
      %dma_wait3A_471 = tpu.memref_squeeze %dma_wait3A_470 : memref<1x1x100000xf32, #tpu.memory_space<hbm>> -> memref<100000xf32, #tpu.memory_space<hbm>>
      %dma_wait3A_472 = arith.constant 0 : i32
      %dma_wait3A_473 = tpu.memref_slice %arg2[%select_n3A, %select_n3A_259, %dma_wait3A_472] : memref<8x8x100000xf32, #tpu.memory_space<hbm>> -> memref<1x1x100000xf32, #tpu.memory_space<hbm>>
      %dma_wait3A_474 = tpu.memref_squeeze %dma_wait3A_473 : memref<1x1x100000xf32, #tpu.memory_space<hbm>> -> memref<100000xf32, #tpu.memory_space<hbm>>
      tpu.wait_dma2 semaphore(%arg10 : memref<!tpu.dma_semaphore, #tpu.memory_space<semaphore_mem>>) src(%dma_wait3A_474 : memref<100000xf32, #tpu.memory_space<hbm>>) dst(%arg5 : memref<100000xf32, #tpu.memory_space<vmem>>)
      %scan3A_475 = arith.constant 0 : i32
      %scan3A_476 = arith.constant 10 : i32
      %scan3A_477 = arith.addi %scan3A_475, %scan3A_476 : i32
      %scan3A_478 = arith.constant 1 : i32
      scf.for %scan3A_480 = %scan3A_475 to %scan3A_477 step %scan3A_478  : i32 {
        %rem3A_481 = arith.constant 2 : i32
        %rem3A_482 = arith.remsi %scan3A_480, %rem3A_481 : i32
        %mul3A_483 = arith.constant 5 : i32
        %mul3A_484 = arith.muli %scan3A_480, %mul3A_483 : i32
        %dma_wait3A_485 = arith.constant 0 : i32
        %dma_wait3A_486 = arith.constant 0 : i32
        %dma_wait3A_487 = arith.constant 0 : i32
        %dma_wait3A_488 = tpu.memref_slice %arg6[%rem3A_482, %dma_wait3A_485, %dma_wait3A_486, %dma_wait3A_487] : memref<2x5x1x1024xi32, #tpu.memory_space<vmem>> -> memref<1x1x1x1024xi32, #tpu.memory_space<vmem>>
        %dma_wait3A_489 = tpu.memref_squeeze %dma_wait3A_488 : memref<1x1x1x1024xi32, #tpu.memory_space<vmem>> -> memref<1x1024xi32, #tpu.memory_space<vmem>>
        %dma_wait3A_490 = arith.constant 0 : i32
        %dma_wait3A_491 = arith.constant 0 : i32
        %dma_wait3A_492 = tpu.memref_slice %arg3[%dma_wait3A_490, %dma_wait3A_491] : memref<50x1024xi32, #tpu.memory_space<hbm>> -> memref<1x1024xi32, #tpu.memory_space<hbm>>
        %dma_wait3A_493 = tpu.memref_slice %arg8[%rem3A_482] : memref<2x!tpu.dma_semaphore, #tpu.memory_space<semaphore_mem>> -> memref<1x!tpu.dma_semaphore, #tpu.memory_space<semaphore_mem>>
        %dma_wait3A_494 = tpu.memref_squeeze %dma_wait3A_493 : memref<1x!tpu.dma_semaphore, #tpu.memory_space<semaphore_mem>> -> memref<!tpu.dma_semaphore, #tpu.memory_space<semaphore_mem>>
        %dma_wait3A_495 = arith.constant 0 : i32
        %dma_wait3A_496 = arith.constant 0 : i32
        %dma_wait3A_497 = tpu.memref_slice %arg6[%rem3A_482, %dma_wait3A_485, %dma_wait3A_495, %dma_wait3A_496] : memref<2x5x1x1024xi32, #tpu.memory_space<vmem>> -> memref<1x1x1x1024xi32, #tpu.memory_space<vmem>>
        %dma_wait3A_498 = tpu.memref_squeeze %dma_wait3A_497 : memref<1x1x1x1024xi32, #tpu.memory_space<vmem>> -> memref<1x1024xi32, #tpu.memory_space<vmem>>
        %dma_wait3A_499 = arith.constant 0 : i32
        %dma_wait3A_500 = arith.constant 0 : i32
        %dma_wait3A_501 = tpu.memref_slice %arg3[%dma_wait3A_499, %dma_wait3A_500] : memref<50x1024xi32, #tpu.memory_space<hbm>> -> memref<1x1024xi32, #tpu.memory_space<hbm>>
        tpu.wait_dma2 semaphore(%dma_wait3A_494 : memref<!tpu.dma_semaphore, #tpu.memory_space<semaphore_mem>>) src(%dma_wait3A_501 : memref<1x1024xi32, #tpu.memory_space<hbm>>) dst(%dma_wait3A_498 : memref<1x1024xi32, #tpu.memory_space<vmem>>)
        %dma_wait3A_502 = arith.constant 0 : i32
        %dma_wait3A_503 = arith.constant 0 : i32
        %dma_wait3A_504 = arith.constant 0 : i32
        %dma_wait3A_505 = tpu.memref_slice %arg6[%rem3A_482, %dma_wait3A_502, %dma_wait3A_503, %dma_wait3A_504] : memref<2x5x1x1024xi32, #tpu.memory_space<vmem>> -> memref<1x1x1x1024xi32, #tpu.memory_space<vmem>>
        %dma_wait3A_506 = tpu.memref_squeeze %dma_wait3A_505 : memref<1x1x1x1024xi32, #tpu.memory_space<vmem>> -> memref<1x1024xi32, #tpu.memory_space<vmem>>
        %dma_wait3A_507 = arith.constant 0 : i32
        %dma_wait3A_508 = arith.constant 0 : i32
        %dma_wait3A_509 = tpu.memref_slice %arg3[%dma_wait3A_507, %dma_wait3A_508] : memref<50x1024xi32, #tpu.memory_space<hbm>> -> memref<1x1024xi32, #tpu.memory_space<hbm>>
        %dma_wait3A_510 = tpu.memref_slice %arg8[%rem3A_482] : memref<2x!tpu.dma_semaphore, #tpu.memory_space<semaphore_mem>> -> memref<1x!tpu.dma_semaphore, #tpu.memory_space<semaphore_mem>>
        %dma_wait3A_511 = tpu.memref_squeeze %dma_wait3A_510 : memref<1x!tpu.dma_semaphore, #tpu.memory_space<semaphore_mem>> -> memref<!tpu.dma_semaphore, #tpu.memory_space<semaphore_mem>>
        %dma_wait3A_512 = arith.constant 0 : i32
        %dma_wait3A_513 = arith.constant 0 : i32
        %dma_wait3A_514 = tpu.memref_slice %arg6[%rem3A_482, %dma_wait3A_502, %dma_wait3A_512, %dma_wait3A_513] : memref<2x5x1x1024xi32, #tpu.memory_space<vmem>> -> memref<1x1x1x1024xi32, #tpu.memory_space<vmem>>
        %dma_wait3A_515 = tpu.memref_squeeze %dma_wait3A_514 : memref<1x1x1x1024xi32, #tpu.memory_space<vmem>> -> memref<1x1024xi32, #tpu.memory_space<vmem>>
        %dma_wait3A_516 = arith.constant 0 : i32
        %dma_wait3A_517 = arith.constant 0 : i32
        %dma_wait3A_518 = tpu.memref_slice %arg3[%dma_wait3A_516, %dma_wait3A_517] : memref<50x1024xi32, #tpu.memory_space<hbm>> -> memref<1x1024xi32, #tpu.memory_space<hbm>>
        tpu.wait_dma2 semaphore(%dma_wait3A_511 : memref<!tpu.dma_semaphore, #tpu.memory_space<semaphore_mem>>) src(%dma_wait3A_518 : memref<1x1024xi32, #tpu.memory_space<hbm>>) dst(%dma_wait3A_515 : memref<1x1024xi32, #tpu.memory_space<vmem>>)
        %dma_wait3A_519 = arith.constant 0 : i32
        %dma_wait3A_520 = arith.constant 0 : i32
        %dma_wait3A_521 = arith.constant 0 : i32
        %dma_wait3A_522 = tpu.memref_slice %arg6[%rem3A_482, %dma_wait3A_519, %dma_wait3A_520, %dma_wait3A_521] : memref<2x5x1x1024xi32, #tpu.memory_space<vmem>> -> memref<1x1x1x1024xi32, #tpu.memory_space<vmem>>
        %dma_wait3A_523 = tpu.memref_squeeze %dma_wait3A_522 : memref<1x1x1x1024xi32, #tpu.memory_space<vmem>> -> memref<1x1024xi32, #tpu.memory_space<vmem>>
        %dma_wait3A_524 = arith.constant 0 : i32
        %dma_wait3A_525 = arith.constant 0 : i32
        %dma_wait3A_526 = tpu.memref_slice %arg3[%dma_wait3A_524, %dma_wait3A_525] : memref<50x1024xi32, #tpu.memory_space<hbm>> -> memref<1x1024xi32, #tpu.memory_space<hbm>>
        %dma_wait3A_527 = tpu.memref_slice %arg8[%rem3A_482] : memref<2x!tpu.dma_semaphore, #tpu.memory_space<semaphore_mem>> -> memref<1x!tpu.dma_semaphore, #tpu.memory_space<semaphore_mem>>
        %dma_wait3A_528 = tpu.memref_squeeze %dma_wait3A_527 : memref<1x!tpu.dma_semaphore, #tpu.memory_space<semaphore_mem>> -> memref<!tpu.dma_semaphore, #tpu.memory_space<semaphore_mem>>
        %dma_wait3A_529 = arith.constant 0 : i32
        %dma_wait3A_530 = arith.constant 0 : i32
        %dma_wait3A_531 = tpu.memref_slice %arg6[%rem3A_482, %dma_wait3A_519, %dma_wait3A_529, %dma_wait3A_530] : memref<2x5x1x1024xi32, #tpu.memory_space<vmem>> -> memref<1x1x1x1024xi32, #tpu.memory_space<vmem>>
        %dma_wait3A_532 = tpu.memref_squeeze %dma_wait3A_531 : memref<1x1x1x1024xi32, #tpu.memory_space<vmem>> -> memref<1x1024xi32, #tpu.memory_space<vmem>>
        %dma_wait3A_533 = arith.constant 0 : i32
        %dma_wait3A_534 = arith.constant 0 : i32
        %dma_wait3A_535 = tpu.memref_slice %arg3[%dma_wait3A_533, %dma_wait3A_534] : memref<50x1024xi32, #tpu.memory_space<hbm>> -> memref<1x1024xi32, #tpu.memory_space<hbm>>
        tpu.wait_dma2 semaphore(%dma_wait3A_528 : memref<!tpu.dma_semaphore, #tpu.memory_space<semaphore_mem>>) src(%dma_wait3A_535 : memref<1x1024xi32, #tpu.memory_space<hbm>>) dst(%dma_wait3A_532 : memref<1x1024xi32, #tpu.memory_space<vmem>>)
        %dma_wait3A_536 = arith.constant 0 : i32
        %dma_wait3A_537 = arith.constant 0 : i32
        %dma_wait3A_538 = arith.constant 0 : i32
        %dma_wait3A_539 = tpu.memref_slice %arg6[%rem3A_482, %dma_wait3A_536, %dma_wait3A_537, %dma_wait3A_538] : memref<2x5x1x1024xi32, #tpu.memory_space<vmem>> -> memref<1x1x1x1024xi32, #tpu.memory_space<vmem>>
        %dma_wait3A_540 = tpu.memref_squeeze %dma_wait3A_539 : memref<1x1x1x1024xi32, #tpu.memory_space<vmem>> -> memref<1x1024xi32, #tpu.memory_space<vmem>>
        %dma_wait3A_541 = arith.constant 0 : i32
        %dma_wait3A_542 = arith.constant 0 : i32
        %dma_wait3A_543 = tpu.memref_slice %arg3[%dma_wait3A_541, %dma_wait3A_542] : memref<50x1024xi32, #tpu.memory_space<hbm>> -> memref<1x1024xi32, #tpu.memory_space<hbm>>
        %dma_wait3A_544 = tpu.memref_slice %arg8[%rem3A_482] : memref<2x!tpu.dma_semaphore, #tpu.memory_space<semaphore_mem>> -> memref<1x!tpu.dma_semaphore, #tpu.memory_space<semaphore_mem>>
        %dma_wait3A_545 = tpu.memref_squeeze %dma_wait3A_544 : memref<1x!tpu.dma_semaphore, #tpu.memory_space<semaphore_mem>> -> memref<!tpu.dma_semaphore, #tpu.memory_space<semaphore_mem>>
        %dma_wait3A_546 = arith.constant 0 : i32
        %dma_wait3A_547 = arith.constant 0 : i32
        %dma_wait3A_548 = tpu.memref_slice %arg6[%rem3A_482, %dma_wait3A_536, %dma_wait3A_546, %dma_wait3A_547] : memref<2x5x1x1024xi32, #tpu.memory_space<vmem>> -> memref<1x1x1x1024xi32, #tpu.memory_space<vmem>>
        %dma_wait3A_549 = tpu.memref_squeeze %dma_wait3A_548 : memref<1x1x1x1024xi32, #tpu.memory_space<vmem>> -> memref<1x1024xi32, #tpu.memory_space<vmem>>
        %dma_wait3A_550 = arith.constant 0 : i32
        %dma_wait3A_551 = arith.constant 0 : i32
        %dma_wait3A_552 = tpu.memref_slice %arg3[%dma_wait3A_550, %dma_wait3A_551] : memref<50x1024xi32, #tpu.memory_space<hbm>> -> memref<1x1024xi32, #tpu.memory_space<hbm>>
        tpu.wait_dma2 semaphore(%dma_wait3A_545 : memref<!tpu.dma_semaphore, #tpu.memory_space<semaphore_mem>>) src(%dma_wait3A_552 : memref<1x1024xi32, #tpu.memory_space<hbm>>) dst(%dma_wait3A_549 : memref<1x1024xi32, #tpu.memory_space<vmem>>)
        %dma_wait3A_553 = arith.constant 0 : i32
        %dma_wait3A_554 = arith.constant 0 : i32
        %dma_wait3A_555 = arith.constant 0 : i32
        %dma_wait3A_556 = tpu.memref_slice %arg6[%rem3A_482, %dma_wait3A_553, %dma_wait3A_554, %dma_wait3A_555] : memref<2x5x1x1024xi32, #tpu.memory_space<vmem>> -> memref<1x1x1x1024xi32, #tpu.memory_space<vmem>>
        %dma_wait3A_557 = tpu.memref_squeeze %dma_wait3A_556 : memref<1x1x1x1024xi32, #tpu.memory_space<vmem>> -> memref<1x1024xi32, #tpu.memory_space<vmem>>
        %dma_wait3A_558 = arith.constant 0 : i32
        %dma_wait3A_559 = arith.constant 0 : i32
        %dma_wait3A_560 = tpu.memref_slice %arg3[%dma_wait3A_558, %dma_wait3A_559] : memref<50x1024xi32, #tpu.memory_space<hbm>> -> memref<1x1024xi32, #tpu.memory_space<hbm>>
        %dma_wait3A_561 = tpu.memref_slice %arg8[%rem3A_482] : memref<2x!tpu.dma_semaphore, #tpu.memory_space<semaphore_mem>> -> memref<1x!tpu.dma_semaphore, #tpu.memory_space<semaphore_mem>>
        %dma_wait3A_562 = tpu.memref_squeeze %dma_wait3A_561 : memref<1x!tpu.dma_semaphore, #tpu.memory_space<semaphore_mem>> -> memref<!tpu.dma_semaphore, #tpu.memory_space<semaphore_mem>>
        %dma_wait3A_563 = arith.constant 0 : i32
        %dma_wait3A_564 = arith.constant 0 : i32
        %dma_wait3A_565 = tpu.memref_slice %arg6[%rem3A_482, %dma_wait3A_553, %dma_wait3A_563, %dma_wait3A_564] : memref<2x5x1x1024xi32, #tpu.memory_space<vmem>> -> memref<1x1x1x1024xi32, #tpu.memory_space<vmem>>
        %dma_wait3A_566 = tpu.memref_squeeze %dma_wait3A_565 : memref<1x1x1x1024xi32, #tpu.memory_space<vmem>> -> memref<1x1024xi32, #tpu.memory_space<vmem>>
        %dma_wait3A_567 = arith.constant 0 : i32
        %dma_wait3A_568 = arith.constant 0 : i32
        %dma_wait3A_569 = tpu.memref_slice %arg3[%dma_wait3A_567, %dma_wait3A_568] : memref<50x1024xi32, #tpu.memory_space<hbm>> -> memref<1x1024xi32, #tpu.memory_space<hbm>>
        tpu.wait_dma2 semaphore(%dma_wait3A_562 : memref<!tpu.dma_semaphore, #tpu.memory_space<semaphore_mem>>) src(%dma_wait3A_569 : memref<1x1024xi32, #tpu.memory_space<hbm>>) dst(%dma_wait3A_566 : memref<1x1024xi32, #tpu.memory_space<vmem>>)
        %ge3A = arith.constant 2 : i32
        %ge3A_570 = arith.cmpi sge, %scan3A_480, %ge3A : i32
        %convert_element_type3A_571 = arith.extui %ge3A_570 : i1 to i32
        %cond3A_572 = arith.constant 0 : i32
        %cond3A_573 = arith.cmpi ne, %convert_element_type3A_571, %cond3A_572 : i32
        scf.if %cond3A_573 {
          %dma_wait3A_693 = arith.constant 0 : i32
          %dma_wait3A_694 = arith.constant 0 : i32
          %dma_wait3A_695 = arith.constant 0 : i32
          %dma_wait3A_696 = arith.constant 0 : i32
          %dma_wait3A_697 = tpu.memref_slice %arg7[%rem3A_482, %dma_wait3A_693, %dma_wait3A_695, %dma_wait3A_696] : memref<2x5x1x1024xf32, #tpu.memory_space<vmem>> -> memref<1x1x1x1024xf32, #tpu.memory_space<vmem>>
          %dma_wait3A_698 = tpu.memref_squeeze %dma_wait3A_697 : memref<1x1x1x1024xf32, #tpu.memory_space<vmem>> -> memref<1x1024xf32, #tpu.memory_space<vmem>>
          %dma_wait3A_699 = arith.constant 0 : i32
          %dma_wait3A_700 = arith.constant 0 : i32
          %dma_wait3A_701 = tpu.memref_slice %arg4[%dma_wait3A_694, %dma_wait3A_699, %dma_wait3A_700] : memref<400x8x1024xf32, #tpu.memory_space<hbm>> -> memref<1x1x1024xf32, #tpu.memory_space<hbm>>
          %dma_wait3A_702 = tpu.memref_squeeze %dma_wait3A_701 : memref<1x1x1024xf32, #tpu.memory_space<hbm>> -> memref<1x1024xf32, #tpu.memory_space<hbm>>
          %dma_wait3A_703 = tpu.memref_slice %arg9[%rem3A_482] : memref<2x!tpu.dma_semaphore, #tpu.memory_space<semaphore_mem>> -> memref<1x!tpu.dma_semaphore, #tpu.memory_space<semaphore_mem>>
          %dma_wait3A_704 = tpu.memref_squeeze %dma_wait3A_703 : memref<1x!tpu.dma_semaphore, #tpu.memory_space<semaphore_mem>> -> memref<!tpu.dma_semaphore, #tpu.memory_space<semaphore_mem>>
          %dma_wait3A_705 = arith.constant 0 : i32
          %dma_wait3A_706 = arith.constant 0 : i32
          %dma_wait3A_707 = tpu.memref_slice %arg4[%dma_wait3A_694, %dma_wait3A_705, %dma_wait3A_706] : memref<400x8x1024xf32, #tpu.memory_space<hbm>> -> memref<1x1x1024xf32, #tpu.memory_space<hbm>>
          %dma_wait3A_708 = tpu.memref_squeeze %dma_wait3A_707 : memref<1x1x1024xf32, #tpu.memory_space<hbm>> -> memref<1x1024xf32, #tpu.memory_space<hbm>>
          %dma_wait3A_709 = arith.constant 0 : i32
          %dma_wait3A_710 = arith.constant 0 : i32
          %dma_wait3A_711 = tpu.memref_slice %arg7[%rem3A_482, %dma_wait3A_693, %dma_wait3A_709, %dma_wait3A_710] : memref<2x5x1x1024xf32, #tpu.memory_space<vmem>> -> memref<1x1x1x1024xf32, #tpu.memory_space<vmem>>
          %dma_wait3A_712 = tpu.memref_squeeze %dma_wait3A_711 : memref<1x1x1x1024xf32, #tpu.memory_space<vmem>> -> memref<1x1024xf32, #tpu.memory_space<vmem>>
          tpu.wait_dma2 semaphore(%dma_wait3A_704 : memref<!tpu.dma_semaphore, #tpu.memory_space<semaphore_mem>>) src(%dma_wait3A_712 : memref<1x1024xf32, #tpu.memory_space<vmem>>) dst(%dma_wait3A_708 : memref<1x1024xf32, #tpu.memory_space<hbm>>)
          %dma_wait3A_713 = arith.constant 0 : i32
          %dma_wait3A_714 = arith.constant 0 : i32
          %dma_wait3A_715 = arith.constant 0 : i32
          %dma_wait3A_716 = arith.constant 0 : i32
          %dma_wait3A_717 = tpu.memref_slice %arg7[%rem3A_482, %dma_wait3A_713, %dma_wait3A_715, %dma_wait3A_716] : memref<2x5x1x1024xf32, #tpu.memory_space<vmem>> -> memref<1x1x1x1024xf32, #tpu.memory_space<vmem>>
          %dma_wait3A_718 = tpu.memref_squeeze %dma_wait3A_717 : memref<1x1x1x1024xf32, #tpu.memory_space<vmem>> -> memref<1x1024xf32, #tpu.memory_space<vmem>>
          %dma_wait3A_719 = arith.constant 0 : i32
          %dma_wait3A_720 = arith.constant 0 : i32
          %dma_wait3A_721 = tpu.memref_slice %arg4[%dma_wait3A_714, %dma_wait3A_719, %dma_wait3A_720] : memref<400x8x1024xf32, #tpu.memory_space<hbm>> -> memref<1x1x1024xf32, #tpu.memory_space<hbm>>
          %dma_wait3A_722 = tpu.memref_squeeze %dma_wait3A_721 : memref<1x1x1024xf32, #tpu.memory_space<hbm>> -> memref<1x1024xf32, #tpu.memory_space<hbm>>
          %dma_wait3A_723 = tpu.memref_slice %arg9[%rem3A_482] : memref<2x!tpu.dma_semaphore, #tpu.memory_space<semaphore_mem>> -> memref<1x!tpu.dma_semaphore, #tpu.memory_space<semaphore_mem>>
          %dma_wait3A_724 = tpu.memref_squeeze %dma_wait3A_723 : memref<1x!tpu.dma_semaphore, #tpu.memory_space<semaphore_mem>> -> memref<!tpu.dma_semaphore, #tpu.memory_space<semaphore_mem>>
          %dma_wait3A_725 = arith.constant 0 : i32
          %dma_wait3A_726 = arith.constant 0 : i32
          %dma_wait3A_727 = tpu.memref_slice %arg4[%dma_wait3A_714, %dma_wait3A_725, %dma_wait3A_726] : memref<400x8x1024xf32, #tpu.memory_space<hbm>> -> memref<1x1x1024xf32, #tpu.memory_space<hbm>>
          %dma_wait3A_728 = tpu.memref_squeeze %dma_wait3A_727 : memref<1x1x1024xf32, #tpu.memory_space<hbm>> -> memref<1x1024xf32, #tpu.memory_space<hbm>>
          %dma_wait3A_729 = arith.constant 0 : i32
          %dma_wait3A_730 = arith.constant 0 : i32
          %dma_wait3A_731 = tpu.memref_slice %arg7[%rem3A_482, %dma_wait3A_713, %dma_wait3A_729, %dma_wait3A_730] : memref<2x5x1x1024xf32, #tpu.memory_space<vmem>> -> memref<1x1x1x1024xf32, #tpu.memory_space<vmem>>
          %dma_wait3A_732 = tpu.memref_squeeze %dma_wait3A_731 : memref<1x1x1x1024xf32, #tpu.memory_space<vmem>> -> memref<1x1024xf32, #tpu.memory_space<vmem>>
          tpu.wait_dma2 semaphore(%dma_wait3A_724 : memref<!tpu.dma_semaphore, #tpu.memory_space<semaphore_mem>>) src(%dma_wait3A_732 : memref<1x1024xf32, #tpu.memory_space<vmem>>) dst(%dma_wait3A_728 : memref<1x1024xf32, #tpu.memory_space<hbm>>)
          %dma_wait3A_733 = arith.constant 0 : i32
          %dma_wait3A_734 = arith.constant 0 : i32
          %dma_wait3A_735 = arith.constant 0 : i32
          %dma_wait3A_736 = arith.constant 0 : i32
          %dma_wait3A_737 = tpu.memref_slice %arg7[%rem3A_482, %dma_wait3A_733, %dma_wait3A_735, %dma_wait3A_736] : memref<2x5x1x1024xf32, #tpu.memory_space<vmem>> -> memref<1x1x1x1024xf32, #tpu.memory_space<vmem>>
          %dma_wait3A_738 = tpu.memref_squeeze %dma_wait3A_737 : memref<1x1x1x1024xf32, #tpu.memory_space<vmem>> -> memref<1x1024xf32, #tpu.memory_space<vmem>>
          %dma_wait3A_739 = arith.constant 0 : i32
          %dma_wait3A_740 = arith.constant 0 : i32
          %dma_wait3A_741 = tpu.memref_slice %arg4[%dma_wait3A_734, %dma_wait3A_739, %dma_wait3A_740] : memref<400x8x1024xf32, #tpu.memory_space<hbm>> -> memref<1x1x1024xf32, #tpu.memory_space<hbm>>
          %dma_wait3A_742 = tpu.memref_squeeze %dma_wait3A_741 : memref<1x1x1024xf32, #tpu.memory_space<hbm>> -> memref<1x1024xf32, #tpu.memory_space<hbm>>
          %dma_wait3A_743 = tpu.memref_slice %arg9[%rem3A_482] : memref<2x!tpu.dma_semaphore, #tpu.memory_space<semaphore_mem>> -> memref<1x!tpu.dma_semaphore, #tpu.memory_space<semaphore_mem>>
          %dma_wait3A_744 = tpu.memref_squeeze %dma_wait3A_743 : memref<1x!tpu.dma_semaphore, #tpu.memory_space<semaphore_mem>> -> memref<!tpu.dma_semaphore, #tpu.memory_space<semaphore_mem>>
          %dma_wait3A_745 = arith.constant 0 : i32
          %dma_wait3A_746 = arith.constant 0 : i32
          %dma_wait3A_747 = tpu.memref_slice %arg4[%dma_wait3A_734, %dma_wait3A_745, %dma_wait3A_746] : memref<400x8x1024xf32, #tpu.memory_space<hbm>> -> memref<1x1x1024xf32, #tpu.memory_space<hbm>>
          %dma_wait3A_748 = tpu.memref_squeeze %dma_wait3A_747 : memref<1x1x1024xf32, #tpu.memory_space<hbm>> -> memref<1x1024xf32, #tpu.memory_space<hbm>>
          %dma_wait3A_749 = arith.constant 0 : i32
          %dma_wait3A_750 = arith.constant 0 : i32
          %dma_wait3A_751 = tpu.memref_slice %arg7[%rem3A_482, %dma_wait3A_733, %dma_wait3A_749, %dma_wait3A_750] : memref<2x5x1x1024xf32, #tpu.memory_space<vmem>> -> memref<1x1x1x1024xf32, #tpu.memory_space<vmem>>
          %dma_wait3A_752 = tpu.memref_squeeze %dma_wait3A_751 : memref<1x1x1x1024xf32, #tpu.memory_space<vmem>> -> memref<1x1024xf32, #tpu.memory_space<vmem>>
          tpu.wait_dma2 semaphore(%dma_wait3A_744 : memref<!tpu.dma_semaphore, #tpu.memory_space<semaphore_mem>>) src(%dma_wait3A_752 : memref<1x1024xf32, #tpu.memory_space<vmem>>) dst(%dma_wait3A_748 : memref<1x1024xf32, #tpu.memory_space<hbm>>)
          %dma_wait3A_753 = arith.constant 0 : i32
          %dma_wait3A_754 = arith.constant 0 : i32
          %dma_wait3A_755 = arith.constant 0 : i32
          %dma_wait3A_756 = arith.constant 0 : i32
          %dma_wait3A_757 = tpu.memref_slice %arg7[%rem3A_482, %dma_wait3A_753, %dma_wait3A_755, %dma_wait3A_756] : memref<2x5x1x1024xf32, #tpu.memory_space<vmem>> -> memref<1x1x1x1024xf32, #tpu.memory_space<vmem>>
          %dma_wait3A_758 = tpu.memref_squeeze %dma_wait3A_757 : memref<1x1x1x1024xf32, #tpu.memory_space<vmem>> -> memref<1x1024xf32, #tpu.memory_space<vmem>>
          %dma_wait3A_759 = arith.constant 0 : i32
          %dma_wait3A_760 = arith.constant 0 : i32
          %dma_wait3A_761 = tpu.memref_slice %arg4[%dma_wait3A_754, %dma_wait3A_759, %dma_wait3A_760] : memref<400x8x1024xf32, #tpu.memory_space<hbm>> -> memref<1x1x1024xf32, #tpu.memory_space<hbm>>
          %dma_wait3A_762 = tpu.memref_squeeze %dma_wait3A_761 : memref<1x1x1024xf32, #tpu.memory_space<hbm>> -> memref<1x1024xf32, #tpu.memory_space<hbm>>
          %dma_wait3A_763 = tpu.memref_slice %arg9[%rem3A_482] : memref<2x!tpu.dma_semaphore, #tpu.memory_space<semaphore_mem>> -> memref<1x!tpu.dma_semaphore, #tpu.memory_space<semaphore_mem>>
          %dma_wait3A_764 = tpu.memref_squeeze %dma_wait3A_763 : memref<1x!tpu.dma_semaphore, #tpu.memory_space<semaphore_mem>> -> memref<!tpu.dma_semaphore, #tpu.memory_space<semaphore_mem>>
          %dma_wait3A_765 = arith.constant 0 : i32
          %dma_wait3A_766 = arith.constant 0 : i32
          %dma_wait3A_767 = tpu.memref_slice %arg4[%dma_wait3A_754, %dma_wait3A_765, %dma_wait3A_766] : memref<400x8x1024xf32, #tpu.memory_space<hbm>> -> memref<1x1x1024xf32, #tpu.memory_space<hbm>>
          %dma_wait3A_768 = tpu.memref_squeeze %dma_wait3A_767 : memref<1x1x1024xf32, #tpu.memory_space<hbm>> -> memref<1x1024xf32, #tpu.memory_space<hbm>>
          %dma_wait3A_769 = arith.constant 0 : i32
          %dma_wait3A_770 = arith.constant 0 : i32
          %dma_wait3A_771 = tpu.memref_slice %arg7[%rem3A_482, %dma_wait3A_753, %dma_wait3A_769, %dma_wait3A_770] : memref<2x5x1x1024xf32, #tpu.memory_space<vmem>> -> memref<1x1x1x1024xf32, #tpu.memory_space<vmem>>
          %dma_wait3A_772 = tpu.memref_squeeze %dma_wait3A_771 : memref<1x1x1x1024xf32, #tpu.memory_space<vmem>> -> memref<1x1024xf32, #tpu.memory_space<vmem>>
          tpu.wait_dma2 semaphore(%dma_wait3A_764 : memref<!tpu.dma_semaphore, #tpu.memory_space<semaphore_mem>>) src(%dma_wait3A_772 : memref<1x1024xf32, #tpu.memory_space<vmem>>) dst(%dma_wait3A_768 : memref<1x1024xf32, #tpu.memory_space<hbm>>)
          %dma_wait3A_773 = arith.constant 0 : i32
          %dma_wait3A_774 = arith.constant 0 : i32
          %dma_wait3A_775 = arith.constant 0 : i32
          %dma_wait3A_776 = arith.constant 0 : i32
          %dma_wait3A_777 = tpu.memref_slice %arg7[%rem3A_482, %dma_wait3A_773, %dma_wait3A_775, %dma_wait3A_776] : memref<2x5x1x1024xf32, #tpu.memory_space<vmem>> -> memref<1x1x1x1024xf32, #tpu.memory_space<vmem>>
          %dma_wait3A_778 = tpu.memref_squeeze %dma_wait3A_777 : memref<1x1x1x1024xf32, #tpu.memory_space<vmem>> -> memref<1x1024xf32, #tpu.memory_space<vmem>>
          %dma_wait3A_779 = arith.constant 0 : i32
          %dma_wait3A_780 = arith.constant 0 : i32
          %dma_wait3A_781 = tpu.memref_slice %arg4[%dma_wait3A_774, %dma_wait3A_779, %dma_wait3A_780] : memref<400x8x1024xf32, #tpu.memory_space<hbm>> -> memref<1x1x1024xf32, #tpu.memory_space<hbm>>
          %dma_wait3A_782 = tpu.memref_squeeze %dma_wait3A_781 : memref<1x1x1024xf32, #tpu.memory_space<hbm>> -> memref<1x1024xf32, #tpu.memory_space<hbm>>
          %dma_wait3A_783 = tpu.memref_slice %arg9[%rem3A_482] : memref<2x!tpu.dma_semaphore, #tpu.memory_space<semaphore_mem>> -> memref<1x!tpu.dma_semaphore, #tpu.memory_space<semaphore_mem>>
          %dma_wait3A_784 = tpu.memref_squeeze %dma_wait3A_783 : memref<1x!tpu.dma_semaphore, #tpu.memory_space<semaphore_mem>> -> memref<!tpu.dma_semaphore, #tpu.memory_space<semaphore_mem>>
          %dma_wait3A_785 = arith.constant 0 : i32
          %dma_wait3A_786 = arith.constant 0 : i32
          %dma_wait3A_787 = tpu.memref_slice %arg4[%dma_wait3A_774, %dma_wait3A_785, %dma_wait3A_786] : memref<400x8x1024xf32, #tpu.memory_space<hbm>> -> memref<1x1x1024xf32, #tpu.memory_space<hbm>>
          %dma_wait3A_788 = tpu.memref_squeeze %dma_wait3A_787 : memref<1x1x1024xf32, #tpu.memory_space<hbm>> -> memref<1x1024xf32, #tpu.memory_space<hbm>>
          %dma_wait3A_789 = arith.constant 0 : i32
          %dma_wait3A_790 = arith.constant 0 : i32
          %dma_wait3A_791 = tpu.memref_slice %arg7[%rem3A_482, %dma_wait3A_773, %dma_wait3A_789, %dma_wait3A_790] : memref<2x5x1x1024xf32, #tpu.memory_space<vmem>> -> memref<1x1x1x1024xf32, #tpu.memory_space<vmem>>
          %dma_wait3A_792 = tpu.memref_squeeze %dma_wait3A_791 : memref<1x1x1x1024xf32, #tpu.memory_space<vmem>> -> memref<1x1024xf32, #tpu.memory_space<vmem>>
          tpu.wait_dma2 semaphore(%dma_wait3A_784 : memref<!tpu.dma_semaphore, #tpu.memory_space<semaphore_mem>>) src(%dma_wait3A_792 : memref<1x1024xf32, #tpu.memory_space<vmem>>) dst(%dma_wait3A_788 : memref<1x1024xf32, #tpu.memory_space<hbm>>)
        } else {
        }
        %parallel_loop3A = arith.constant 0 : i32
        %parallel_loop3A_574 = arith.constant 320 : i32
        %parallel_loop3A_575 = arith.constant 1 : i32
        scf.for %parallel_loop3A_693 = %parallel_loop3A to %parallel_loop3A_574 step %parallel_loop3A_575  : i32 {
          %parallel_loop3A_694 = arith.constant 64 : i32
          %parallel_loop3A_695 = arith.divsi %parallel_loop3A_693, %parallel_loop3A_694 : i32
          %parallel_loop3A_696 = arith.constant 0 : i32
          %parallel_loop3A_697 = arith.cmpi sgt, %parallel_loop3A_693, %parallel_loop3A_696 : i32
          %parallel_loop3A_698 = arith.extui %parallel_loop3A_697 : i1 to i32
          %parallel_loop3A_699 = arith.constant 0 : i32
          %parallel_loop3A_700 = arith.cmpi slt, %parallel_loop3A_693, %parallel_loop3A_699 : i32
          %parallel_loop3A_701 = arith.extui %parallel_loop3A_700 : i1 to i32
          %parallel_loop3A_702 = arith.subi %parallel_loop3A_698, %parallel_loop3A_701 : i32
          %parallel_loop3A_703 = arith.constant 0 : i32
          %parallel_loop3A_704 = arith.cmpi sgt, %parallel_loop3A_694, %parallel_loop3A_703 : i32
          %parallel_loop3A_705 = arith.extui %parallel_loop3A_704 : i1 to i32
          %parallel_loop3A_706 = arith.constant 0 : i32
          %parallel_loop3A_707 = arith.cmpi slt, %parallel_loop3A_694, %parallel_loop3A_706 : i32
          %parallel_loop3A_708 = arith.extui %parallel_loop3A_707 : i1 to i32
          %parallel_loop3A_709 = arith.subi %parallel_loop3A_705, %parallel_loop3A_708 : i32
          %parallel_loop3A_710 = arith.cmpi ne, %parallel_loop3A_702, %parallel_loop3A_709 : i32
          %parallel_loop3A_711 = arith.remsi %parallel_loop3A_693, %parallel_loop3A_694 : i32
          %parallel_loop3A_712 = arith.constant 0 : i32
          %parallel_loop3A_713 = arith.cmpi ne, %parallel_loop3A_711, %parallel_loop3A_712 : i32
          %parallel_loop3A_714 = arith.andi %parallel_loop3A_710, %parallel_loop3A_713 : i1
          %parallel_loop3A_715 = arith.constant 1 : i32
          %parallel_loop3A_716 = arith.subi %parallel_loop3A_695, %parallel_loop3A_715 : i32
          %parallel_loop3A_717 = arith.select %parallel_loop3A_714, %parallel_loop3A_716, %parallel_loop3A_695 : i32
          %parallel_loop3A_718 = arith.constant 16 : i32
          %parallel_loop3A_719 = arith.muli %parallel_loop3A_693, %parallel_loop3A_718 : i32
          %parallel_loop3A_720 = arith.constant 1024 : i32
          %parallel_loop3A_721 = arith.constant 0 : i32
          %parallel_loop3A_722 = arith.cmpi eq, %parallel_loop3A_720, %parallel_loop3A_721 : i32
          %parallel_loop3A_723 = arith.constant 1 : i32
          %parallel_loop3A_724 = arith.select %parallel_loop3A_722, %parallel_loop3A_723, %parallel_loop3A_720 : i32
          %parallel_loop3A_725 = arith.remsi %parallel_loop3A_719, %parallel_loop3A_724 : i32
          %parallel_loop3A_726 = arith.constant 0 : i32
          %parallel_loop3A_727 = arith.cmpi ne, %parallel_loop3A_725, %parallel_loop3A_726 : i32
          %parallel_loop3A_728 = arith.constant 0 : i32
          %parallel_loop3A_729 = arith.cmpi slt, %parallel_loop3A_725, %parallel_loop3A_728 : i32
          %parallel_loop3A_730 = arith.constant 0 : i32
          %parallel_loop3A_731 = arith.cmpi slt, %parallel_loop3A_724, %parallel_loop3A_730 : i32
          %parallel_loop3A_732 = arith.xori %parallel_loop3A_729, %parallel_loop3A_731 : i1
          %parallel_loop3A_733 = arith.andi %parallel_loop3A_732, %parallel_loop3A_727 : i1
          %parallel_loop3A_734 = arith.addi %parallel_loop3A_725, %parallel_loop3A_724 : i32
          %parallel_loop3A_735 = arith.select %parallel_loop3A_733, %parallel_loop3A_734, %parallel_loop3A_725 : i32
          %parallel_loop3A_736 = arith.constant 0 : i32
          %parallel_loop3A_737 = arith.index_cast %rem3A_482 : i32 to index
          %parallel_loop3A_738 = arith.index_cast %parallel_loop3A_717 : i32 to index
          %parallel_loop3A_739 = arith.index_cast %parallel_loop3A_736 : i32 to index
          %parallel_loop3A_740 = arith.index_cast %parallel_loop3A_735 : i32 to index
          %parallel_loop3A_741 = tpu.vector_load %arg6[%parallel_loop3A_737, %parallel_loop3A_738, %parallel_loop3A_739, %parallel_loop3A_740] {strides = array<i32>} : memref<2x5x1x1024xi32, #tpu.memory_space<vmem>>, vector<16xi32>,
          %parallel_loop3A_742 = tpu.vector_load_idx %arg5[%parallel_loop3A_741] : memref<100000xf32, #tpu.memory_space<vmem>>[vector<16xi32>], vector<16xf32>,
          %parallel_loop3A_743 = arith.constant 64 : i32
          %parallel_loop3A_744 = arith.divsi %parallel_loop3A_693, %parallel_loop3A_743 : i32
          %parallel_loop3A_745 = arith.constant 0 : i32
          %parallel_loop3A_746 = arith.cmpi sgt, %parallel_loop3A_693, %parallel_loop3A_745 : i32
          %parallel_loop3A_747 = arith.extui %parallel_loop3A_746 : i1 to i32
          %parallel_loop3A_748 = arith.constant 0 : i32
          %parallel_loop3A_749 = arith.cmpi slt, %parallel_loop3A_693, %parallel_loop3A_748 : i32
          %parallel_loop3A_750 = arith.extui %parallel_loop3A_749 : i1 to i32
          %parallel_loop3A_751 = arith.subi %parallel_loop3A_747, %parallel_loop3A_750 : i32
          %parallel_loop3A_752 = arith.constant 0 : i32
          %parallel_loop3A_753 = arith.cmpi sgt, %parallel_loop3A_743, %parallel_loop3A_752 : i32
          %parallel_loop3A_754 = arith.extui %parallel_loop3A_753 : i1 to i32
          %parallel_loop3A_755 = arith.constant 0 : i32
          %parallel_loop3A_756 = arith.cmpi slt, %parallel_loop3A_743, %parallel_loop3A_755 : i32
          %parallel_loop3A_757 = arith.extui %parallel_loop3A_756 : i1 to i32
          %parallel_loop3A_758 = arith.subi %parallel_loop3A_754, %parallel_loop3A_757 : i32
          %parallel_loop3A_759 = arith.cmpi ne, %parallel_loop3A_751, %parallel_loop3A_758 : i32
          %parallel_loop3A_760 = arith.remsi %parallel_loop3A_693, %parallel_loop3A_743 : i32
          %parallel_loop3A_761 = arith.constant 0 : i32
          %parallel_loop3A_762 = arith.cmpi ne, %parallel_loop3A_760, %parallel_loop3A_761 : i32
          %parallel_loop3A_763 = arith.andi %parallel_loop3A_759, %parallel_loop3A_762 : i1
          %parallel_loop3A_764 = arith.constant 1 : i32
          %parallel_loop3A_765 = arith.subi %parallel_loop3A_744, %parallel_loop3A_764 : i32
          %parallel_loop3A_766 = arith.select %parallel_loop3A_763, %parallel_loop3A_765, %parallel_loop3A_744 : i32
          %parallel_loop3A_767 = arith.constant 16 : i32
          %parallel_loop3A_768 = arith.muli %parallel_loop3A_693, %parallel_loop3A_767 : i32
          %parallel_loop3A_769 = arith.constant 1024 : i32
          %parallel_loop3A_770 = arith.constant 0 : i32
          %parallel_loop3A_771 = arith.cmpi eq, %parallel_loop3A_769, %parallel_loop3A_770 : i32
          %parallel_loop3A_772 = arith.constant 1 : i32
          %parallel_loop3A_773 = arith.select %parallel_loop3A_771, %parallel_loop3A_772, %parallel_loop3A_769 : i32
          %parallel_loop3A_774 = arith.remsi %parallel_loop3A_768, %parallel_loop3A_773 : i32
          %parallel_loop3A_775 = arith.constant 0 : i32
          %parallel_loop3A_776 = arith.cmpi ne, %parallel_loop3A_774, %parallel_loop3A_775 : i32
          %parallel_loop3A_777 = arith.constant 0 : i32
          %parallel_loop3A_778 = arith.cmpi slt, %parallel_loop3A_774, %parallel_loop3A_777 : i32
          %parallel_loop3A_779 = arith.constant 0 : i32
          %parallel_loop3A_780 = arith.cmpi slt, %parallel_loop3A_773, %parallel_loop3A_779 : i32
          %parallel_loop3A_781 = arith.xori %parallel_loop3A_778, %parallel_loop3A_780 : i1
          %parallel_loop3A_782 = arith.andi %parallel_loop3A_781, %parallel_loop3A_776 : i1
          %parallel_loop3A_783 = arith.addi %parallel_loop3A_774, %parallel_loop3A_773 : i32
          %parallel_loop3A_784 = arith.select %parallel_loop3A_782, %parallel_loop3A_783, %parallel_loop3A_774 : i32
          %parallel_loop3A_785 = arith.constant 0 : i32
          %parallel_loop3A_786 = arith.index_cast %rem3A_482 : i32 to index
          %parallel_loop3A_787 = arith.index_cast %parallel_loop3A_766 : i32 to index
          %parallel_loop3A_788 = arith.index_cast %parallel_loop3A_785 : i32 to index
          %parallel_loop3A_789 = arith.index_cast %parallel_loop3A_784 : i32 to index
          %parallel_loop3A_790 = tpu.vector_load %arg7[%parallel_loop3A_786, %parallel_loop3A_787, %parallel_loop3A_788, %parallel_loop3A_789] {strides = array<i32>} : memref<2x5x1x1024xf32, #tpu.memory_space<vmem>>, vector<16xf32>,
          tpu.vector_store %arg7[%parallel_loop3A_786, %parallel_loop3A_787, %parallel_loop3A_788, %parallel_loop3A_789], %parallel_loop3A_742 {strides = array<i32>} : memref<2x5x1x1024xf32, #tpu.memory_space<vmem>>, vector<16xf32>,
        } {sc.loop_unroll_factor = 16 : i64, sc.parallel_access}
        %add3A_576 = arith.constant 0 : i32
        %add3A_577 = arith.addi %mul3A_484, %add3A_576 : i32
        %mul3A_578 = arith.constant 8 : i32
        %mul3A_579 = arith.muli %mul3A_578, %add3A_577 : i32
        %add3A_580 = arith.addi %mul3A_579, %select_n3A : i32
        %dma_start3A_581 = arith.constant 0 : i32
        %dma_start3A_582 = arith.constant 0 : i32
        %dma_start3A_583 = arith.constant 0 : i32
        %dma_start3A_584 = tpu.memref_slice %arg7[%rem3A_482, %dma_start3A_581, %dma_start3A_582, %dma_start3A_583] : memref<2x5x1x1024xf32, #tpu.memory_space<vmem>> -> memref<1x1x1x1024xf32, #tpu.memory_space<vmem>>
        %dma_start3A_585 = tpu.memref_squeeze %dma_start3A_584 : memref<1x1x1x1024xf32, #tpu.memory_space<vmem>> -> memref<1x1024xf32, #tpu.memory_space<vmem>>
        %dma_start3A_586 = arith.constant 0 : i32
        %dma_start3A_587 = tpu.memref_slice %arg4[%add3A_580, %select_n3A_259, %dma_start3A_586] : memref<400x8x1024xf32, #tpu.memory_space<hbm>> -> memref<1x1x1024xf32, #tpu.memory_space<hbm>>
        %dma_start3A_588 = tpu.memref_squeeze %dma_start3A_587 : memref<1x1x1024xf32, #tpu.memory_space<hbm>> -> memref<1x1024xf32, #tpu.memory_space<hbm>>
        %dma_start3A_589 = tpu.memref_slice %arg9[%rem3A_482] : memref<2x!tpu.dma_semaphore, #tpu.memory_space<semaphore_mem>> -> memref<1x!tpu.dma_semaphore, #tpu.memory_space<semaphore_mem>>
        %dma_start3A_590 = tpu.memref_squeeze %dma_start3A_589 : memref<1x!tpu.dma_semaphore, #tpu.memory_space<semaphore_mem>> -> memref<!tpu.dma_semaphore, #tpu.memory_space<semaphore_mem>>
        %dma_start3A_591 = arith.constant 0 : i32
        %dma_start3A_592 = tpu.memref_slice %arg4[%add3A_580, %select_n3A_259, %dma_start3A_591] : memref<400x8x1024xf32, #tpu.memory_space<hbm>> -> memref<1x1x1024xf32, #tpu.memory_space<hbm>>
        %dma_start3A_593 = tpu.memref_squeeze %dma_start3A_592 : memref<1x1x1024xf32, #tpu.memory_space<hbm>> -> memref<1x1024xf32, #tpu.memory_space<hbm>>
        %dma_start3A_594 = arith.constant 0 : i32
        %dma_start3A_595 = arith.constant 0 : i32
        %dma_start3A_596 = tpu.memref_slice %arg7[%rem3A_482, %dma_start3A_581, %dma_start3A_594, %dma_start3A_595] : memref<2x5x1x1024xf32, #tpu.memory_space<vmem>> -> memref<1x1x1x1024xf32, #tpu.memory_space<vmem>>
        %dma_start3A_597 = tpu.memref_squeeze %dma_start3A_596 : memref<1x1x1x1024xf32, #tpu.memory_space<vmem>> -> memref<1x1024xf32, #tpu.memory_space<vmem>>
        tpu.enqueue_dma source(%dma_start3A_597 : memref<1x1024xf32, #tpu.memory_space<vmem>>) target(%dma_start3A_593 : memref<1x1024xf32, #tpu.memory_space<hbm>>) target_semaphore(%dma_start3A_590 : memref<!tpu.dma_semaphore, #tpu.memory_space<semaphore_mem>>)
        %add3A_598 = arith.constant 1 : i32
        %add3A_599 = arith.addi %mul3A_484, %add3A_598 : i32
        %mul3A_600 = arith.constant 8 : i32
        %mul3A_601 = arith.muli %mul3A_600, %add3A_599 : i32
        %add3A_602 = arith.addi %mul3A_601, %select_n3A : i32
        %dma_start3A_603 = arith.constant 1 : i32
        %dma_start3A_604 = arith.constant 0 : i32
        %dma_start3A_605 = arith.constant 0 : i32
        %dma_start3A_606 = tpu.memref_slice %arg7[%rem3A_482, %dma_start3A_603, %dma_start3A_604, %dma_start3A_605] : memref<2x5x1x1024xf32, #tpu.memory_space<vmem>> -> memref<1x1x1x1024xf32, #tpu.memory_space<vmem>>
        %dma_start3A_607 = tpu.memref_squeeze %dma_start3A_606 : memref<1x1x1x1024xf32, #tpu.memory_space<vmem>> -> memref<1x1024xf32, #tpu.memory_space<vmem>>
        %dma_start3A_608 = arith.constant 0 : i32
        %dma_start3A_609 = tpu.memref_slice %arg4[%add3A_602, %select_n3A_259, %dma_start3A_608] : memref<400x8x1024xf32, #tpu.memory_space<hbm>> -> memref<1x1x1024xf32, #tpu.memory_space<hbm>>
        %dma_start3A_610 = tpu.memref_squeeze %dma_start3A_609 : memref<1x1x1024xf32, #tpu.memory_space<hbm>> -> memref<1x1024xf32, #tpu.memory_space<hbm>>
        %dma_start3A_611 = tpu.memref_slice %arg9[%rem3A_482] : memref<2x!tpu.dma_semaphore, #tpu.memory_space<semaphore_mem>> -> memref<1x!tpu.dma_semaphore, #tpu.memory_space<semaphore_mem>>
        %dma_start3A_612 = tpu.memref_squeeze %dma_start3A_611 : memref<1x!tpu.dma_semaphore, #tpu.memory_space<semaphore_mem>> -> memref<!tpu.dma_semaphore, #tpu.memory_space<semaphore_mem>>
        %dma_start3A_613 = arith.constant 0 : i32
        %dma_start3A_614 = tpu.memref_slice %arg4[%add3A_602, %select_n3A_259, %dma_start3A_613] : memref<400x8x1024xf32, #tpu.memory_space<hbm>> -> memref<1x1x1024xf32, #tpu.memory_space<hbm>>
        %dma_start3A_615 = tpu.memref_squeeze %dma_start3A_614 : memref<1x1x1024xf32, #tpu.memory_space<hbm>> -> memref<1x1024xf32, #tpu.memory_space<hbm>>
        %dma_start3A_616 = arith.constant 0 : i32
        %dma_start3A_617 = arith.constant 0 : i32
        %dma_start3A_618 = tpu.memref_slice %arg7[%rem3A_482, %dma_start3A_603, %dma_start3A_616, %dma_start3A_617] : memref<2x5x1x1024xf32, #tpu.memory_space<vmem>> -> memref<1x1x1x1024xf32, #tpu.memory_space<vmem>>
        %dma_start3A_619 = tpu.memref_squeeze %dma_start3A_618 : memref<1x1x1x1024xf32, #tpu.memory_space<vmem>> -> memref<1x1024xf32, #tpu.memory_space<vmem>>
        tpu.enqueue_dma source(%dma_start3A_619 : memref<1x1024xf32, #tpu.memory_space<vmem>>) target(%dma_start3A_615 : memref<1x1024xf32, #tpu.memory_space<hbm>>) target_semaphore(%dma_start3A_612 : memref<!tpu.dma_semaphore, #tpu.memory_space<semaphore_mem>>)
        %add3A_620 = arith.constant 2 : i32
        %add3A_621 = arith.addi %mul3A_484, %add3A_620 : i32
        %mul3A_622 = arith.constant 8 : i32
        %mul3A_623 = arith.muli %mul3A_622, %add3A_621 : i32
        %add3A_624 = arith.addi %mul3A_623, %select_n3A : i32
        %dma_start3A_625 = arith.constant 2 : i32
        %dma_start3A_626 = arith.constant 0 : i32
        %dma_start3A_627 = arith.constant 0 : i32
        %dma_start3A_628 = tpu.memref_slice %arg7[%rem3A_482, %dma_start3A_625, %dma_start3A_626, %dma_start3A_627] : memref<2x5x1x1024xf32, #tpu.memory_space<vmem>> -> memref<1x1x1x1024xf32, #tpu.memory_space<vmem>>
        %dma_start3A_629 = tpu.memref_squeeze %dma_start3A_628 : memref<1x1x1x1024xf32, #tpu.memory_space<vmem>> -> memref<1x1024xf32, #tpu.memory_space<vmem>>
        %dma_start3A_630 = arith.constant 0 : i32
        %dma_start3A_631 = tpu.memref_slice %arg4[%add3A_624, %select_n3A_259, %dma_start3A_630] : memref<400x8x1024xf32, #tpu.memory_space<hbm>> -> memref<1x1x1024xf32, #tpu.memory_space<hbm>>
        %dma_start3A_632 = tpu.memref_squeeze %dma_start3A_631 : memref<1x1x1024xf32, #tpu.memory_space<hbm>> -> memref<1x1024xf32, #tpu.memory_space<hbm>>
        %dma_start3A_633 = tpu.memref_slice %arg9[%rem3A_482] : memref<2x!tpu.dma_semaphore, #tpu.memory_space<semaphore_mem>> -> memref<1x!tpu.dma_semaphore, #tpu.memory_space<semaphore_mem>>
        %dma_start3A_634 = tpu.memref_squeeze %dma_start3A_633 : memref<1x!tpu.dma_semaphore, #tpu.memory_space<semaphore_mem>> -> memref<!tpu.dma_semaphore, #tpu.memory_space<semaphore_mem>>
        %dma_start3A_635 = arith.constant 0 : i32
        %dma_start3A_636 = tpu.memref_slice %arg4[%add3A_624, %select_n3A_259, %dma_start3A_635] : memref<400x8x1024xf32, #tpu.memory_space<hbm>> -> memref<1x1x1024xf32, #tpu.memory_space<hbm>>
        %dma_start3A_637 = tpu.memref_squeeze %dma_start3A_636 : memref<1x1x1024xf32, #tpu.memory_space<hbm>> -> memref<1x1024xf32, #tpu.memory_space<hbm>>
        %dma_start3A_638 = arith.constant 0 : i32
        %dma_start3A_639 = arith.constant 0 : i32
        %dma_start3A_640 = tpu.memref_slice %arg7[%rem3A_482, %dma_start3A_625, %dma_start3A_638, %dma_start3A_639] : memref<2x5x1x1024xf32, #tpu.memory_space<vmem>> -> memref<1x1x1x1024xf32, #tpu.memory_space<vmem>>
        %dma_start3A_641 = tpu.memref_squeeze %dma_start3A_640 : memref<1x1x1x1024xf32, #tpu.memory_space<vmem>> -> memref<1x1024xf32, #tpu.memory_space<vmem>>
        tpu.enqueue_dma source(%dma_start3A_641 : memref<1x1024xf32, #tpu.memory_space<vmem>>) target(%dma_start3A_637 : memref<1x1024xf32, #tpu.memory_space<hbm>>) target_semaphore(%dma_start3A_634 : memref<!tpu.dma_semaphore, #tpu.memory_space<semaphore_mem>>)
        %add3A_642 = arith.constant 3 : i32
        %add3A_643 = arith.addi %mul3A_484, %add3A_642 : i32
        %mul3A_644 = arith.constant 8 : i32
        %mul3A_645 = arith.muli %mul3A_644, %add3A_643 : i32
        %add3A_646 = arith.addi %mul3A_645, %select_n3A : i32
        %dma_start3A_647 = arith.constant 3 : i32
        %dma_start3A_648 = arith.constant 0 : i32
        %dma_start3A_649 = arith.constant 0 : i32
        %dma_start3A_650 = tpu.memref_slice %arg7[%rem3A_482, %dma_start3A_647, %dma_start3A_648, %dma_start3A_649] : memref<2x5x1x1024xf32, #tpu.memory_space<vmem>> -> memref<1x1x1x1024xf32, #tpu.memory_space<vmem>>
        %dma_start3A_651 = tpu.memref_squeeze %dma_start3A_650 : memref<1x1x1x1024xf32, #tpu.memory_space<vmem>> -> memref<1x1024xf32, #tpu.memory_space<vmem>>
        %dma_start3A_652 = arith.constant 0 : i32
        %dma_start3A_653 = tpu.memref_slice %arg4[%add3A_646, %select_n3A_259, %dma_start3A_652] : memref<400x8x1024xf32, #tpu.memory_space<hbm>> -> memref<1x1x1024xf32, #tpu.memory_space<hbm>>
        %dma_start3A_654 = tpu.memref_squeeze %dma_start3A_653 : memref<1x1x1024xf32, #tpu.memory_space<hbm>> -> memref<1x1024xf32, #tpu.memory_space<hbm>>
        %dma_start3A_655 = tpu.memref_slice %arg9[%rem3A_482] : memref<2x!tpu.dma_semaphore, #tpu.memory_space<semaphore_mem>> -> memref<1x!tpu.dma_semaphore, #tpu.memory_space<semaphore_mem>>
        %dma_start3A_656 = tpu.memref_squeeze %dma_start3A_655 : memref<1x!tpu.dma_semaphore, #tpu.memory_space<semaphore_mem>> -> memref<!tpu.dma_semaphore, #tpu.memory_space<semaphore_mem>>
        %dma_start3A_657 = arith.constant 0 : i32
        %dma_start3A_658 = tpu.memref_slice %arg4[%add3A_646, %select_n3A_259, %dma_start3A_657] : memref<400x8x1024xf32, #tpu.memory_space<hbm>> -> memref<1x1x1024xf32, #tpu.memory_space<hbm>>
        %dma_start3A_659 = tpu.memref_squeeze %dma_start3A_658 : memref<1x1x1024xf32, #tpu.memory_space<hbm>> -> memref<1x1024xf32, #tpu.memory_space<hbm>>
        %dma_start3A_660 = arith.constant 0 : i32
        %dma_start3A_661 = arith.constant 0 : i32
        %dma_start3A_662 = tpu.memref_slice %arg7[%rem3A_482, %dma_start3A_647, %dma_start3A_660, %dma_start3A_661] : memref<2x5x1x1024xf32, #tpu.memory_space<vmem>> -> memref<1x1x1x1024xf32, #tpu.memory_space<vmem>>
        %dma_start3A_663 = tpu.memref_squeeze %dma_start3A_662 : memref<1x1x1x1024xf32, #tpu.memory_space<vmem>> -> memref<1x1024xf32, #tpu.memory_space<vmem>>
        tpu.enqueue_dma source(%dma_start3A_663 : memref<1x1024xf32, #tpu.memory_space<vmem>>) target(%dma_start3A_659 : memref<1x1024xf32, #tpu.memory_space<hbm>>) target_semaphore(%dma_start3A_656 : memref<!tpu.dma_semaphore, #tpu.memory_space<semaphore_mem>>)
        %add3A_664 = arith.constant 4 : i32
        %add3A_665 = arith.addi %mul3A_484, %add3A_664 : i32
        %mul3A_666 = arith.constant 8 : i32
        %mul3A_667 = arith.muli %mul3A_666, %add3A_665 : i32
        %add3A_668 = arith.addi %mul3A_667, %select_n3A : i32
        %dma_start3A_669 = arith.constant 4 : i32
        %dma_start3A_670 = arith.constant 0 : i32
        %dma_start3A_671 = arith.constant 0 : i32
        %dma_start3A_672 = tpu.memref_slice %arg7[%rem3A_482, %dma_start3A_669, %dma_start3A_670, %dma_start3A_671] : memref<2x5x1x1024xf32, #tpu.memory_space<vmem>> -> memref<1x1x1x1024xf32, #tpu.memory_space<vmem>>
        %dma_start3A_673 = tpu.memref_squeeze %dma_start3A_672 : memref<1x1x1x1024xf32, #tpu.memory_space<vmem>> -> memref<1x1024xf32, #tpu.memory_space<vmem>>
        %dma_start3A_674 = arith.constant 0 : i32
        %dma_start3A_675 = tpu.memref_slice %arg4[%add3A_668, %select_n3A_259, %dma_start3A_674] : memref<400x8x1024xf32, #tpu.memory_space<hbm>> -> memref<1x1x1024xf32, #tpu.memory_space<hbm>>
        %dma_start3A_676 = tpu.memref_squeeze %dma_start3A_675 : memref<1x1x1024xf32, #tpu.memory_space<hbm>> -> memref<1x1024xf32, #tpu.memory_space<hbm>>
        %dma_start3A_677 = tpu.memref_slice %arg9[%rem3A_482] : memref<2x!tpu.dma_semaphore, #tpu.memory_space<semaphore_mem>> -> memref<1x!tpu.dma_semaphore, #tpu.memory_space<semaphore_mem>>
        %dma_start3A_678 = tpu.memref_squeeze %dma_start3A_677 : memref<1x!tpu.dma_semaphore, #tpu.memory_space<semaphore_mem>> -> memref<!tpu.dma_semaphore, #tpu.memory_space<semaphore_mem>>
        %dma_start3A_679 = arith.constant 0 : i32
        %dma_start3A_680 = tpu.memref_slice %arg4[%add3A_668, %select_n3A_259, %dma_start3A_679] : memref<400x8x1024xf32, #tpu.memory_space<hbm>> -> memref<1x1x1024xf32, #tpu.memory_space<hbm>>
        %dma_start3A_681 = tpu.memref_squeeze %dma_start3A_680 : memref<1x1x1024xf32, #tpu.memory_space<hbm>> -> memref<1x1024xf32, #tpu.memory_space<hbm>>
        %dma_start3A_682 = arith.constant 0 : i32
        %dma_start3A_683 = arith.constant 0 : i32
        %dma_start3A_684 = tpu.memref_slice %arg7[%rem3A_482, %dma_start3A_669, %dma_start3A_682, %dma_start3A_683] : memref<2x5x1x1024xf32, #tpu.memory_space<vmem>> -> memref<1x1x1x1024xf32, #tpu.memory_space<vmem>>
        %dma_start3A_685 = tpu.memref_squeeze %dma_start3A_684 : memref<1x1x1x1024xf32, #tpu.memory_space<vmem>> -> memref<1x1024xf32, #tpu.memory_space<vmem>>
        tpu.enqueue_dma source(%dma_start3A_685 : memref<1x1024xf32, #tpu.memory_space<vmem>>) target(%dma_start3A_681 : memref<1x1024xf32, #tpu.memory_space<hbm>>) target_semaphore(%dma_start3A_678 : memref<!tpu.dma_semaphore, #tpu.memory_space<semaphore_mem>>)
        %add3A_686 = arith.constant 2 : i32
        %add3A_687 = arith.addi %scan3A_480, %add3A_686 : i32
        %lt3A_688 = arith.constant 10 : i32
        %lt3A_689 = arith.cmpi slt, %add3A_687, %lt3A_688 : i32
        %convert_element_type3A_690 = arith.extui %lt3A_689 : i1 to i32
        %cond3A_691 = arith.constant 0 : i32
        %cond3A_692 = arith.cmpi ne, %convert_element_type3A_690, %cond3A_691 : i32
        scf.if %cond3A_692 {
          %add3A_693 = arith.constant 10 : i32
          %add3A_694 = arith.addi %mul3A_484, %add3A_693 : i32
          %add3A_695 = arith.constant 0 : i32
          %add3A_696 = arith.addi %add3A_694, %add3A_695 : i32
          %dma_start3A_697 = arith.constant 0 : i32
          %dma_start3A_698 = arith.constant 0 : i32
          %dma_start3A_699 = arith.constant 0 : i32
          %dma_start3A_700 = tpu.memref_slice %arg6[%rem3A_482, %dma_start3A_697, %dma_start3A_698, %dma_start3A_699] : memref<2x5x1x1024xi32, #tpu.memory_space<vmem>> -> memref<1x1x1x1024xi32, #tpu.memory_space<vmem>>
          %dma_start3A_701 = tpu.memref_squeeze %dma_start3A_700 : memref<1x1x1x1024xi32, #tpu.memory_space<vmem>> -> memref<1x1024xi32, #tpu.memory_space<vmem>>
          %dma_start3A_702 = arith.constant 0 : i32
          %dma_start3A_703 = tpu.memref_slice %arg3[%add3A_696, %dma_start3A_702] : memref<50x1024xi32, #tpu.memory_space<hbm>> -> memref<1x1024xi32, #tpu.memory_space<hbm>>
          %dma_start3A_704 = tpu.memref_slice %arg8[%rem3A_482] : memref<2x!tpu.dma_semaphore, #tpu.memory_space<semaphore_mem>> -> memref<1x!tpu.dma_semaphore, #tpu.memory_space<semaphore_mem>>
          %dma_start3A_705 = tpu.memref_squeeze %dma_start3A_704 : memref<1x!tpu.dma_semaphore, #tpu.memory_space<semaphore_mem>> -> memref<!tpu.dma_semaphore, #tpu.memory_space<semaphore_mem>>
          %dma_start3A_706 = arith.constant 0 : i32
          %dma_start3A_707 = arith.constant 0 : i32
          %dma_start3A_708 = tpu.memref_slice %arg6[%rem3A_482, %dma_start3A_697, %dma_start3A_706, %dma_start3A_707] : memref<2x5x1x1024xi32, #tpu.memory_space<vmem>> -> memref<1x1x1x1024xi32, #tpu.memory_space<vmem>>
          %dma_start3A_709 = tpu.memref_squeeze %dma_start3A_708 : memref<1x1x1x1024xi32, #tpu.memory_space<vmem>> -> memref<1x1024xi32, #tpu.memory_space<vmem>>
          %dma_start3A_710 = arith.constant 0 : i32
          %dma_start3A_711 = tpu.memref_slice %arg3[%add3A_696, %dma_start3A_710] : memref<50x1024xi32, #tpu.memory_space<hbm>> -> memref<1x1024xi32, #tpu.memory_space<hbm>>
          tpu.enqueue_dma source(%dma_start3A_711 : memref<1x1024xi32, #tpu.memory_space<hbm>>) target(%dma_start3A_709 : memref<1x1024xi32, #tpu.memory_space<vmem>>) target_semaphore(%dma_start3A_705 : memref<!tpu.dma_semaphore, #tpu.memory_space<semaphore_mem>>)
          %add3A_712 = arith.constant 10 : i32
          %add3A_713 = arith.addi %mul3A_484, %add3A_712 : i32
          %add3A_714 = arith.constant 1 : i32
          %add3A_715 = arith.addi %add3A_713, %add3A_714 : i32
          %dma_start3A_716 = arith.constant 1 : i32
          %dma_start3A_717 = arith.constant 0 : i32
          %dma_start3A_718 = arith.constant 0 : i32
          %dma_start3A_719 = tpu.memref_slice %arg6[%rem3A_482, %dma_start3A_716, %dma_start3A_717, %dma_start3A_718] : memref<2x5x1x1024xi32, #tpu.memory_space<vmem>> -> memref<1x1x1x1024xi32, #tpu.memory_space<vmem>>
          %dma_start3A_720 = tpu.memref_squeeze %dma_start3A_719 : memref<1x1x1x1024xi32, #tpu.memory_space<vmem>> -> memref<1x1024xi32, #tpu.memory_space<vmem>>
          %dma_start3A_721 = arith.constant 0 : i32
          %dma_start3A_722 = tpu.memref_slice %arg3[%add3A_715, %dma_start3A_721] : memref<50x1024xi32, #tpu.memory_space<hbm>> -> memref<1x1024xi32, #tpu.memory_space<hbm>>
          %dma_start3A_723 = tpu.memref_slice %arg8[%rem3A_482] : memref<2x!tpu.dma_semaphore, #tpu.memory_space<semaphore_mem>> -> memref<1x!tpu.dma_semaphore, #tpu.memory_space<semaphore_mem>>
          %dma_start3A_724 = tpu.memref_squeeze %dma_start3A_723 : memref<1x!tpu.dma_semaphore, #tpu.memory_space<semaphore_mem>> -> memref<!tpu.dma_semaphore, #tpu.memory_space<semaphore_mem>>
          %dma_start3A_725 = arith.constant 0 : i32
          %dma_start3A_726 = arith.constant 0 : i32
          %dma_start3A_727 = tpu.memref_slice %arg6[%rem3A_482, %dma_start3A_716, %dma_start3A_725, %dma_start3A_726] : memref<2x5x1x1024xi32, #tpu.memory_space<vmem>> -> memref<1x1x1x1024xi32, #tpu.memory_space<vmem>>
          %dma_start3A_728 = tpu.memref_squeeze %dma_start3A_727 : memref<1x1x1x1024xi32, #tpu.memory_space<vmem>> -> memref<1x1024xi32, #tpu.memory_space<vmem>>
          %dma_start3A_729 = arith.constant 0 : i32
          %dma_start3A_730 = tpu.memref_slice %arg3[%add3A_715, %dma_start3A_729] : memref<50x1024xi32, #tpu.memory_space<hbm>> -> memref<1x1024xi32, #tpu.memory_space<hbm>>
          tpu.enqueue_dma source(%dma_start3A_730 : memref<1x1024xi32, #tpu.memory_space<hbm>>) target(%dma_start3A_728 : memref<1x1024xi32, #tpu.memory_space<vmem>>) target_semaphore(%dma_start3A_724 : memref<!tpu.dma_semaphore, #tpu.memory_space<semaphore_mem>>)
          %add3A_731 = arith.constant 10 : i32
          %add3A_732 = arith.addi %mul3A_484, %add3A_731 : i32
          %add3A_733 = arith.constant 2 : i32
          %add3A_734 = arith.addi %add3A_732, %add3A_733 : i32
          %dma_start3A_735 = arith.constant 2 : i32
          %dma_start3A_736 = arith.constant 0 : i32
          %dma_start3A_737 = arith.constant 0 : i32
          %dma_start3A_738 = tpu.memref_slice %arg6[%rem3A_482, %dma_start3A_735, %dma_start3A_736, %dma_start3A_737] : memref<2x5x1x1024xi32, #tpu.memory_space<vmem>> -> memref<1x1x1x1024xi32, #tpu.memory_space<vmem>>
          %dma_start3A_739 = tpu.memref_squeeze %dma_start3A_738 : memref<1x1x1x1024xi32, #tpu.memory_space<vmem>> -> memref<1x1024xi32, #tpu.memory_space<vmem>>
          %dma_start3A_740 = arith.constant 0 : i32
          %dma_start3A_741 = tpu.memref_slice %arg3[%add3A_734, %dma_start3A_740] : memref<50x1024xi32, #tpu.memory_space<hbm>> -> memref<1x1024xi32, #tpu.memory_space<hbm>>
          %dma_start3A_742 = tpu.memref_slice %arg8[%rem3A_482] : memref<2x!tpu.dma_semaphore, #tpu.memory_space<semaphore_mem>> -> memref<1x!tpu.dma_semaphore, #tpu.memory_space<semaphore_mem>>
          %dma_start3A_743 = tpu.memref_squeeze %dma_start3A_742 : memref<1x!tpu.dma_semaphore, #tpu.memory_space<semaphore_mem>> -> memref<!tpu.dma_semaphore, #tpu.memory_space<semaphore_mem>>
          %dma_start3A_744 = arith.constant 0 : i32
          %dma_start3A_745 = arith.constant 0 : i32
          %dma_start3A_746 = tpu.memref_slice %arg6[%rem3A_482, %dma_start3A_735, %dma_start3A_744, %dma_start3A_745] : memref<2x5x1x1024xi32, #tpu.memory_space<vmem>> -> memref<1x1x1x1024xi32, #tpu.memory_space<vmem>>
          %dma_start3A_747 = tpu.memref_squeeze %dma_start3A_746 : memref<1x1x1x1024xi32, #tpu.memory_space<vmem>> -> memref<1x1024xi32, #tpu.memory_space<vmem>>
          %dma_start3A_748 = arith.constant 0 : i32
          %dma_start3A_749 = tpu.memref_slice %arg3[%add3A_734, %dma_start3A_748] : memref<50x1024xi32, #tpu.memory_space<hbm>> -> memref<1x1024xi32, #tpu.memory_space<hbm>>
          tpu.enqueue_dma source(%dma_start3A_749 : memref<1x1024xi32, #tpu.memory_space<hbm>>) target(%dma_start3A_747 : memref<1x1024xi32, #tpu.memory_space<vmem>>) target_semaphore(%dma_start3A_743 : memref<!tpu.dma_semaphore, #tpu.memory_space<semaphore_mem>>)
          %add3A_750 = arith.constant 10 : i32
          %add3A_751 = arith.addi %mul3A_484, %add3A_750 : i32
          %add3A_752 = arith.constant 3 : i32
          %add3A_753 = arith.addi %add3A_751, %add3A_752 : i32
          %dma_start3A_754 = arith.constant 3 : i32
          %dma_start3A_755 = arith.constant 0 : i32
          %dma_start3A_756 = arith.constant 0 : i32
          %dma_start3A_757 = tpu.memref_slice %arg6[%rem3A_482, %dma_start3A_754, %dma_start3A_755, %dma_start3A_756] : memref<2x5x1x1024xi32, #tpu.memory_space<vmem>> -> memref<1x1x1x1024xi32, #tpu.memory_space<vmem>>
          %dma_start3A_758 = tpu.memref_squeeze %dma_start3A_757 : memref<1x1x1x1024xi32, #tpu.memory_space<vmem>> -> memref<1x1024xi32, #tpu.memory_space<vmem>>
          %dma_start3A_759 = arith.constant 0 : i32
          %dma_start3A_760 = tpu.memref_slice %arg3[%add3A_753, %dma_start3A_759] : memref<50x1024xi32, #tpu.memory_space<hbm>> -> memref<1x1024xi32, #tpu.memory_space<hbm>>
          %dma_start3A_761 = tpu.memref_slice %arg8[%rem3A_482] : memref<2x!tpu.dma_semaphore, #tpu.memory_space<semaphore_mem>> -> memref<1x!tpu.dma_semaphore, #tpu.memory_space<semaphore_mem>>
          %dma_start3A_762 = tpu.memref_squeeze %dma_start3A_761 : memref<1x!tpu.dma_semaphore, #tpu.memory_space<semaphore_mem>> -> memref<!tpu.dma_semaphore, #tpu.memory_space<semaphore_mem>>
          %dma_start3A_763 = arith.constant 0 : i32
          %dma_start3A_764 = arith.constant 0 : i32
          %dma_start3A_765 = tpu.memref_slice %arg6[%rem3A_482, %dma_start3A_754, %dma_start3A_763, %dma_start3A_764] : memref<2x5x1x1024xi32, #tpu.memory_space<vmem>> -> memref<1x1x1x1024xi32, #tpu.memory_space<vmem>>
          %dma_start3A_766 = tpu.memref_squeeze %dma_start3A_765 : memref<1x1x1x1024xi32, #tpu.memory_space<vmem>> -> memref<1x1024xi32, #tpu.memory_space<vmem>>
          %dma_start3A_767 = arith.constant 0 : i32
          %dma_start3A_768 = tpu.memref_slice %arg3[%add3A_753, %dma_start3A_767] : memref<50x1024xi32, #tpu.memory_space<hbm>> -> memref<1x1024xi32, #tpu.memory_space<hbm>>
          tpu.enqueue_dma source(%dma_start3A_768 : memref<1x1024xi32, #tpu.memory_space<hbm>>) target(%dma_start3A_766 : memref<1x1024xi32, #tpu.memory_space<vmem>>) target_semaphore(%dma_start3A_762 : memref<!tpu.dma_semaphore, #tpu.memory_space<semaphore_mem>>)
          %add3A_769 = arith.constant 10 : i32
          %add3A_770 = arith.addi %mul3A_484, %add3A_769 : i32
          %add3A_771 = arith.constant 4 : i32
          %add3A_772 = arith.addi %add3A_770, %add3A_771 : i32
          %dma_start3A_773 = arith.constant 4 : i32
          %dma_start3A_774 = arith.constant 0 : i32
          %dma_start3A_775 = arith.constant 0 : i32
          %dma_start3A_776 = tpu.memref_slice %arg6[%rem3A_482, %dma_start3A_773, %dma_start3A_774, %dma_start3A_775] : memref<2x5x1x1024xi32, #tpu.memory_space<vmem>> -> memref<1x1x1x1024xi32, #tpu.memory_space<vmem>>
          %dma_start3A_777 = tpu.memref_squeeze %dma_start3A_776 : memref<1x1x1x1024xi32, #tpu.memory_space<vmem>> -> memref<1x1024xi32, #tpu.memory_space<vmem>>
          %dma_start3A_778 = arith.constant 0 : i32
          %dma_start3A_779 = tpu.memref_slice %arg3[%add3A_772, %dma_start3A_778] : memref<50x1024xi32, #tpu.memory_space<hbm>> -> memref<1x1024xi32, #tpu.memory_space<hbm>>
          %dma_start3A_780 = tpu.memref_slice %arg8[%rem3A_482] : memref<2x!tpu.dma_semaphore, #tpu.memory_space<semaphore_mem>> -> memref<1x!tpu.dma_semaphore, #tpu.memory_space<semaphore_mem>>
          %dma_start3A_781 = tpu.memref_squeeze %dma_start3A_780 : memref<1x!tpu.dma_semaphore, #tpu.memory_space<semaphore_mem>> -> memref<!tpu.dma_semaphore, #tpu.memory_space<semaphore_mem>>
          %dma_start3A_782 = arith.constant 0 : i32
          %dma_start3A_783 = arith.constant 0 : i32
          %dma_start3A_784 = tpu.memref_slice %arg6[%rem3A_482, %dma_start3A_773, %dma_start3A_782, %dma_start3A_783] : memref<2x5x1x1024xi32, #tpu.memory_space<vmem>> -> memref<1x1x1x1024xi32, #tpu.memory_space<vmem>>
          %dma_start3A_785 = tpu.memref_squeeze %dma_start3A_784 : memref<1x1x1x1024xi32, #tpu.memory_space<vmem>> -> memref<1x1024xi32, #tpu.memory_space<vmem>>
          %dma_start3A_786 = arith.constant 0 : i32
          %dma_start3A_787 = tpu.memref_slice %arg3[%add3A_772, %dma_start3A_786] : memref<50x1024xi32, #tpu.memory_space<hbm>> -> memref<1x1024xi32, #tpu.memory_space<hbm>>
          tpu.enqueue_dma source(%dma_start3A_787 : memref<1x1024xi32, #tpu.memory_space<hbm>>) target(%dma_start3A_785 : memref<1x1024xi32, #tpu.memory_space<vmem>>) target_semaphore(%dma_start3A_781 : memref<!tpu.dma_semaphore, #tpu.memory_space<semaphore_mem>>)
        } else {
        }
      }
      %scan3A_479 = arith.constant 10 : i32
    }
    %scan3A_4 = arith.constant 2 : i32
    %dma_wait3A = arith.constant 0 : i32
    %dma_wait3A_5 = arith.constant 0 : i32
    %dma_wait3A_6 = arith.constant 0 : i32
    %dma_wait3A_7 = arith.constant 0 : i32
    %dma_wait3A_8 = arith.constant 0 : i32
    %dma_wait3A_9 = arith.constant 0 : i32
    %dma_wait3A_10 = tpu.memref_slice %arg7[%dma_wait3A, %dma_wait3A_5, %dma_wait3A_8, %dma_wait3A_9] : memref<2x5x1x1024xf32, #tpu.memory_space<vmem>> -> memref<1x1x1x1024xf32, #tpu.memory_space<vmem>>
    %dma_wait3A_11 = tpu.memref_squeeze %dma_wait3A_10 : memref<1x1x1x1024xf32, #tpu.memory_space<vmem>> -> memref<1x1024xf32, #tpu.memory_space<vmem>>
    %dma_wait3A_12 = arith.constant 0 : i32
    %dma_wait3A_13 = arith.constant 0 : i32
    %dma_wait3A_14 = tpu.memref_slice %arg4[%dma_wait3A_6, %dma_wait3A_12, %dma_wait3A_13] : memref<400x8x1024xf32, #tpu.memory_space<hbm>> -> memref<1x1x1024xf32, #tpu.memory_space<hbm>>
    %dma_wait3A_15 = tpu.memref_squeeze %dma_wait3A_14 : memref<1x1x1024xf32, #tpu.memory_space<hbm>> -> memref<1x1024xf32, #tpu.memory_space<hbm>>
    %dma_wait3A_16 = tpu.memref_slice %arg9[%dma_wait3A_7] : memref<2x!tpu.dma_semaphore, #tpu.memory_space<semaphore_mem>> -> memref<1x!tpu.dma_semaphore, #tpu.memory_space<semaphore_mem>>
    %dma_wait3A_17 = tpu.memref_squeeze %dma_wait3A_16 : memref<1x!tpu.dma_semaphore, #tpu.memory_space<semaphore_mem>> -> memref<!tpu.dma_semaphore, #tpu.memory_space<semaphore_mem>>
    %dma_wait3A_18 = arith.constant 0 : i32
    %dma_wait3A_19 = arith.constant 0 : i32
    %dma_wait3A_20 = tpu.memref_slice %arg4[%dma_wait3A_6, %dma_wait3A_18, %dma_wait3A_19] : memref<400x8x1024xf32, #tpu.memory_space<hbm>> -> memref<1x1x1024xf32, #tpu.memory_space<hbm>>
    %dma_wait3A_21 = tpu.memref_squeeze %dma_wait3A_20 : memref<1x1x1024xf32, #tpu.memory_space<hbm>> -> memref<1x1024xf32, #tpu.memory_space<hbm>>
    %dma_wait3A_22 = arith.constant 0 : i32
    %dma_wait3A_23 = arith.constant 0 : i32
    %dma_wait3A_24 = tpu.memref_slice %arg7[%dma_wait3A, %dma_wait3A_5, %dma_wait3A_22, %dma_wait3A_23] : memref<2x5x1x1024xf32, #tpu.memory_space<vmem>> -> memref<1x1x1x1024xf32, #tpu.memory_space<vmem>>
    %dma_wait3A_25 = tpu.memref_squeeze %dma_wait3A_24 : memref<1x1x1x1024xf32, #tpu.memory_space<vmem>> -> memref<1x1024xf32, #tpu.memory_space<vmem>>
    tpu.wait_dma2 semaphore(%dma_wait3A_17 : memref<!tpu.dma_semaphore, #tpu.memory_space<semaphore_mem>>) src(%dma_wait3A_25 : memref<1x1024xf32, #tpu.memory_space<vmem>>) dst(%dma_wait3A_21 : memref<1x1024xf32, #tpu.memory_space<hbm>>)
    %dma_wait3A_26 = arith.constant 0 : i32
    %dma_wait3A_27 = arith.constant 0 : i32
    %dma_wait3A_28 = arith.constant 0 : i32
    %dma_wait3A_29 = arith.constant 0 : i32
    %dma_wait3A_30 = arith.constant 0 : i32
    %dma_wait3A_31 = arith.constant 0 : i32
    %dma_wait3A_32 = tpu.memref_slice %arg7[%dma_wait3A_26, %dma_wait3A_27, %dma_wait3A_30, %dma_wait3A_31] : memref<2x5x1x1024xf32, #tpu.memory_space<vmem>> -> memref<1x1x1x1024xf32, #tpu.memory_space<vmem>>
    %dma_wait3A_33 = tpu.memref_squeeze %dma_wait3A_32 : memref<1x1x1x1024xf32, #tpu.memory_space<vmem>> -> memref<1x1024xf32, #tpu.memory_space<vmem>>
    %dma_wait3A_34 = arith.constant 0 : i32
    %dma_wait3A_35 = arith.constant 0 : i32
    %dma_wait3A_36 = tpu.memref_slice %arg4[%dma_wait3A_28, %dma_wait3A_34, %dma_wait3A_35] : memref<400x8x1024xf32, #tpu.memory_space<hbm>> -> memref<1x1x1024xf32, #tpu.memory_space<hbm>>
    %dma_wait3A_37 = tpu.memref_squeeze %dma_wait3A_36 : memref<1x1x1024xf32, #tpu.memory_space<hbm>> -> memref<1x1024xf32, #tpu.memory_space<hbm>>
    %dma_wait3A_38 = tpu.memref_slice %arg9[%dma_wait3A_29] : memref<2x!tpu.dma_semaphore, #tpu.memory_space<semaphore_mem>> -> memref<1x!tpu.dma_semaphore, #tpu.memory_space<semaphore_mem>>
    %dma_wait3A_39 = tpu.memref_squeeze %dma_wait3A_38 : memref<1x!tpu.dma_semaphore, #tpu.memory_space<semaphore_mem>> -> memref<!tpu.dma_semaphore, #tpu.memory_space<semaphore_mem>>
    %dma_wait3A_40 = arith.constant 0 : i32
    %dma_wait3A_41 = arith.constant 0 : i32
    %dma_wait3A_42 = tpu.memref_slice %arg4[%dma_wait3A_28, %dma_wait3A_40, %dma_wait3A_41] : memref<400x8x1024xf32, #tpu.memory_space<hbm>> -> memref<1x1x1024xf32, #tpu.memory_space<hbm>>
    %dma_wait3A_43 = tpu.memref_squeeze %dma_wait3A_42 : memref<1x1x1024xf32, #tpu.memory_space<hbm>> -> memref<1x1024xf32, #tpu.memory_space<hbm>>
    %dma_wait3A_44 = arith.constant 0 : i32
    %dma_wait3A_45 = arith.constant 0 : i32
    %dma_wait3A_46 = tpu.memref_slice %arg7[%dma_wait3A_26, %dma_wait3A_27, %dma_wait3A_44, %dma_wait3A_45] : memref<2x5x1x1024xf32, #tpu.memory_space<vmem>> -> memref<1x1x1x1024xf32, #tpu.memory_space<vmem>>
    %dma_wait3A_47 = tpu.memref_squeeze %dma_wait3A_46 : memref<1x1x1x1024xf32, #tpu.memory_space<vmem>> -> memref<1x1024xf32, #tpu.memory_space<vmem>>
    tpu.wait_dma2 semaphore(%dma_wait3A_39 : memref<!tpu.dma_semaphore, #tpu.memory_space<semaphore_mem>>) src(%dma_wait3A_47 : memref<1x1024xf32, #tpu.memory_space<vmem>>) dst(%dma_wait3A_43 : memref<1x1024xf32, #tpu.memory_space<hbm>>)
    %dma_wait3A_48 = arith.constant 0 : i32
    %dma_wait3A_49 = arith.constant 0 : i32
    %dma_wait3A_50 = arith.constant 0 : i32
    %dma_wait3A_51 = arith.constant 0 : i32
    %dma_wait3A_52 = arith.constant 0 : i32
    %dma_wait3A_53 = arith.constant 0 : i32
    %dma_wait3A_54 = tpu.memref_slice %arg7[%dma_wait3A_48, %dma_wait3A_49, %dma_wait3A_52, %dma_wait3A_53] : memref<2x5x1x1024xf32, #tpu.memory_space<vmem>> -> memref<1x1x1x1024xf32, #tpu.memory_space<vmem>>
    %dma_wait3A_55 = tpu.memref_squeeze %dma_wait3A_54 : memref<1x1x1x1024xf32, #tpu.memory_space<vmem>> -> memref<1x1024xf32, #tpu.memory_space<vmem>>
    %dma_wait3A_56 = arith.constant 0 : i32
    %dma_wait3A_57 = arith.constant 0 : i32
    %dma_wait3A_58 = tpu.memref_slice %arg4[%dma_wait3A_50, %dma_wait3A_56, %dma_wait3A_57] : memref<400x8x1024xf32, #tpu.memory_space<hbm>> -> memref<1x1x1024xf32, #tpu.memory_space<hbm>>
    %dma_wait3A_59 = tpu.memref_squeeze %dma_wait3A_58 : memref<1x1x1024xf32, #tpu.memory_space<hbm>> -> memref<1x1024xf32, #tpu.memory_space<hbm>>
    %dma_wait3A_60 = tpu.memref_slice %arg9[%dma_wait3A_51] : memref<2x!tpu.dma_semaphore, #tpu.memory_space<semaphore_mem>> -> memref<1x!tpu.dma_semaphore, #tpu.memory_space<semaphore_mem>>
    %dma_wait3A_61 = tpu.memref_squeeze %dma_wait3A_60 : memref<1x!tpu.dma_semaphore, #tpu.memory_space<semaphore_mem>> -> memref<!tpu.dma_semaphore, #tpu.memory_space<semaphore_mem>>
    %dma_wait3A_62 = arith.constant 0 : i32
    %dma_wait3A_63 = arith.constant 0 : i32
    %dma_wait3A_64 = tpu.memref_slice %arg4[%dma_wait3A_50, %dma_wait3A_62, %dma_wait3A_63] : memref<400x8x1024xf32, #tpu.memory_space<hbm>> -> memref<1x1x1024xf32, #tpu.memory_space<hbm>>
    %dma_wait3A_65 = tpu.memref_squeeze %dma_wait3A_64 : memref<1x1x1024xf32, #tpu.memory_space<hbm>> -> memref<1x1024xf32, #tpu.memory_space<hbm>>
    %dma_wait3A_66 = arith.constant 0 : i32
    %dma_wait3A_67 = arith.constant 0 : i32
    %dma_wait3A_68 = tpu.memref_slice %arg7[%dma_wait3A_48, %dma_wait3A_49, %dma_wait3A_66, %dma_wait3A_67] : memref<2x5x1x1024xf32, #tpu.memory_space<vmem>> -> memref<1x1x1x1024xf32, #tpu.memory_space<vmem>>
    %dma_wait3A_69 = tpu.memref_squeeze %dma_wait3A_68 : memref<1x1x1x1024xf32, #tpu.memory_space<vmem>> -> memref<1x1024xf32, #tpu.memory_space<vmem>>
    tpu.wait_dma2 semaphore(%dma_wait3A_61 : memref<!tpu.dma_semaphore, #tpu.memory_space<semaphore_mem>>) src(%dma_wait3A_69 : memref<1x1024xf32, #tpu.memory_space<vmem>>) dst(%dma_wait3A_65 : memref<1x1024xf32, #tpu.memory_space<hbm>>)
    %dma_wait3A_70 = arith.constant 0 : i32
    %dma_wait3A_71 = arith.constant 0 : i32
    %dma_wait3A_72 = arith.constant 0 : i32
    %dma_wait3A_73 = arith.constant 0 : i32
    %dma_wait3A_74 = arith.constant 0 : i32
    %dma_wait3A_75 = arith.constant 0 : i32
    %dma_wait3A_76 = tpu.memref_slice %arg7[%dma_wait3A_70, %dma_wait3A_71, %dma_wait3A_74, %dma_wait3A_75] : memref<2x5x1x1024xf32, #tpu.memory_space<vmem>> -> memref<1x1x1x1024xf32, #tpu.memory_space<vmem>>
    %dma_wait3A_77 = tpu.memref_squeeze %dma_wait3A_76 : memref<1x1x1x1024xf32, #tpu.memory_space<vmem>> -> memref<1x1024xf32, #tpu.memory_space<vmem>>
    %dma_wait3A_78 = arith.constant 0 : i32
    %dma_wait3A_79 = arith.constant 0 : i32
    %dma_wait3A_80 = tpu.memref_slice %arg4[%dma_wait3A_72, %dma_wait3A_78, %dma_wait3A_79] : memref<400x8x1024xf32, #tpu.memory_space<hbm>> -> memref<1x1x1024xf32, #tpu.memory_space<hbm>>
    %dma_wait3A_81 = tpu.memref_squeeze %dma_wait3A_80 : memref<1x1x1024xf32, #tpu.memory_space<hbm>> -> memref<1x1024xf32, #tpu.memory_space<hbm>>
    %dma_wait3A_82 = tpu.memref_slice %arg9[%dma_wait3A_73] : memref<2x!tpu.dma_semaphore, #tpu.memory_space<semaphore_mem>> -> memref<1x!tpu.dma_semaphore, #tpu.memory_space<semaphore_mem>>
    %dma_wait3A_83 = tpu.memref_squeeze %dma_wait3A_82 : memref<1x!tpu.dma_semaphore, #tpu.memory_space<semaphore_mem>> -> memref<!tpu.dma_semaphore, #tpu.memory_space<semaphore_mem>>
    %dma_wait3A_84 = arith.constant 0 : i32
    %dma_wait3A_85 = arith.constant 0 : i32
    %dma_wait3A_86 = tpu.memref_slice %arg4[%dma_wait3A_72, %dma_wait3A_84, %dma_wait3A_85] : memref<400x8x1024xf32, #tpu.memory_space<hbm>> -> memref<1x1x1024xf32, #tpu.memory_space<hbm>>
    %dma_wait3A_87 = tpu.memref_squeeze %dma_wait3A_86 : memref<1x1x1024xf32, #tpu.memory_space<hbm>> -> memref<1x1024xf32, #tpu.memory_space<hbm>>
    %dma_wait3A_88 = arith.constant 0 : i32
    %dma_wait3A_89 = arith.constant 0 : i32
    %dma_wait3A_90 = tpu.memref_slice %arg7[%dma_wait3A_70, %dma_wait3A_71, %dma_wait3A_88, %dma_wait3A_89] : memref<2x5x1x1024xf32, #tpu.memory_space<vmem>> -> memref<1x1x1x1024xf32, #tpu.memory_space<vmem>>
    %dma_wait3A_91 = tpu.memref_squeeze %dma_wait3A_90 : memref<1x1x1x1024xf32, #tpu.memory_space<vmem>> -> memref<1x1024xf32, #tpu.memory_space<vmem>>
    tpu.wait_dma2 semaphore(%dma_wait3A_83 : memref<!tpu.dma_semaphore, #tpu.memory_space<semaphore_mem>>) src(%dma_wait3A_91 : memref<1x1024xf32, #tpu.memory_space<vmem>>) dst(%dma_wait3A_87 : memref<1x1024xf32, #tpu.memory_space<hbm>>)
    %dma_wait3A_92 = arith.constant 0 : i32
    %dma_wait3A_93 = arith.constant 0 : i32
    %dma_wait3A_94 = arith.constant 0 : i32
    %dma_wait3A_95 = arith.constant 0 : i32
    %dma_wait3A_96 = arith.constant 0 : i32
    %dma_wait3A_97 = arith.constant 0 : i32
    %dma_wait3A_98 = tpu.memref_slice %arg7[%dma_wait3A_92, %dma_wait3A_93, %dma_wait3A_96, %dma_wait3A_97] : memref<2x5x1x1024xf32, #tpu.memory_space<vmem>> -> memref<1x1x1x1024xf32, #tpu.memory_space<vmem>>
    %dma_wait3A_99 = tpu.memref_squeeze %dma_wait3A_98 : memref<1x1x1x1024xf32, #tpu.memory_space<vmem>> -> memref<1x1024xf32, #tpu.memory_space<vmem>>
    %dma_wait3A_100 = arith.constant 0 : i32
    %dma_wait3A_101 = arith.constant 0 : i32
    %dma_wait3A_102 = tpu.memref_slice %arg4[%dma_wait3A_94, %dma_wait3A_100, %dma_wait3A_101] : memref<400x8x1024xf32, #tpu.memory_space<hbm>> -> memref<1x1x1024xf32, #tpu.memory_space<hbm>>
    %dma_wait3A_103 = tpu.memref_squeeze %dma_wait3A_102 : memref<1x1x1024xf32, #tpu.memory_space<hbm>> -> memref<1x1024xf32, #tpu.memory_space<hbm>>
    %dma_wait3A_104 = tpu.memref_slice %arg9[%dma_wait3A_95] : memref<2x!tpu.dma_semaphore, #tpu.memory_space<semaphore_mem>> -> memref<1x!tpu.dma_semaphore, #tpu.memory_space<semaphore_mem>>
    %dma_wait3A_105 = tpu.memref_squeeze %dma_wait3A_104 : memref<1x!tpu.dma_semaphore, #tpu.memory_space<semaphore_mem>> -> memref<!tpu.dma_semaphore, #tpu.memory_space<semaphore_mem>>
    %dma_wait3A_106 = arith.constant 0 : i32
    %dma_wait3A_107 = arith.constant 0 : i32
    %dma_wait3A_108 = tpu.memref_slice %arg4[%dma_wait3A_94, %dma_wait3A_106, %dma_wait3A_107] : memref<400x8x1024xf32, #tpu.memory_space<hbm>> -> memref<1x1x1024xf32, #tpu.memory_space<hbm>>
    %dma_wait3A_109 = tpu.memref_squeeze %dma_wait3A_108 : memref<1x1x1024xf32, #tpu.memory_space<hbm>> -> memref<1x1024xf32, #tpu.memory_space<hbm>>
    %dma_wait3A_110 = arith.constant 0 : i32
    %dma_wait3A_111 = arith.constant 0 : i32
    %dma_wait3A_112 = tpu.memref_slice %arg7[%dma_wait3A_92, %dma_wait3A_93, %dma_wait3A_110, %dma_wait3A_111] : memref<2x5x1x1024xf32, #tpu.memory_space<vmem>> -> memref<1x1x1x1024xf32, #tpu.memory_space<vmem>>
    %dma_wait3A_113 = tpu.memref_squeeze %dma_wait3A_112 : memref<1x1x1x1024xf32, #tpu.memory_space<vmem>> -> memref<1x1024xf32, #tpu.memory_space<vmem>>
    tpu.wait_dma2 semaphore(%dma_wait3A_105 : memref<!tpu.dma_semaphore, #tpu.memory_space<semaphore_mem>>) src(%dma_wait3A_113 : memref<1x1024xf32, #tpu.memory_space<vmem>>) dst(%dma_wait3A_109 : memref<1x1024xf32, #tpu.memory_space<hbm>>)
    %dma_wait3A_114 = arith.constant 1 : i32
    %dma_wait3A_115 = arith.constant 0 : i32
    %dma_wait3A_116 = arith.constant 0 : i32
    %dma_wait3A_117 = arith.constant 1 : i32
    %dma_wait3A_118 = arith.constant 0 : i32
    %dma_wait3A_119 = arith.constant 0 : i32
    %dma_wait3A_120 = tpu.memref_slice %arg7[%dma_wait3A_114, %dma_wait3A_115, %dma_wait3A_118, %dma_wait3A_119] : memref<2x5x1x1024xf32, #tpu.memory_space<vmem>> -> memref<1x1x1x1024xf32, #tpu.memory_space<vmem>>
    %dma_wait3A_121 = tpu.memref_squeeze %dma_wait3A_120 : memref<1x1x1x1024xf32, #tpu.memory_space<vmem>> -> memref<1x1024xf32, #tpu.memory_space<vmem>>
    %dma_wait3A_122 = arith.constant 0 : i32
    %dma_wait3A_123 = arith.constant 0 : i32
    %dma_wait3A_124 = tpu.memref_slice %arg4[%dma_wait3A_116, %dma_wait3A_122, %dma_wait3A_123] : memref<400x8x1024xf32, #tpu.memory_space<hbm>> -> memref<1x1x1024xf32, #tpu.memory_space<hbm>>
    %dma_wait3A_125 = tpu.memref_squeeze %dma_wait3A_124 : memref<1x1x1024xf32, #tpu.memory_space<hbm>> -> memref<1x1024xf32, #tpu.memory_space<hbm>>
    %dma_wait3A_126 = tpu.memref_slice %arg9[%dma_wait3A_117] : memref<2x!tpu.dma_semaphore, #tpu.memory_space<semaphore_mem>> -> memref<1x!tpu.dma_semaphore, #tpu.memory_space<semaphore_mem>>
    %dma_wait3A_127 = tpu.memref_squeeze %dma_wait3A_126 : memref<1x!tpu.dma_semaphore, #tpu.memory_space<semaphore_mem>> -> memref<!tpu.dma_semaphore, #tpu.memory_space<semaphore_mem>>
    %dma_wait3A_128 = arith.constant 0 : i32
    %dma_wait3A_129 = arith.constant 0 : i32
    %dma_wait3A_130 = tpu.memref_slice %arg4[%dma_wait3A_116, %dma_wait3A_128, %dma_wait3A_129] : memref<400x8x1024xf32, #tpu.memory_space<hbm>> -> memref<1x1x1024xf32, #tpu.memory_space<hbm>>
    %dma_wait3A_131 = tpu.memref_squeeze %dma_wait3A_130 : memref<1x1x1024xf32, #tpu.memory_space<hbm>> -> memref<1x1024xf32, #tpu.memory_space<hbm>>
    %dma_wait3A_132 = arith.constant 0 : i32
    %dma_wait3A_133 = arith.constant 0 : i32
    %dma_wait3A_134 = tpu.memref_slice %arg7[%dma_wait3A_114, %dma_wait3A_115, %dma_wait3A_132, %dma_wait3A_133] : memref<2x5x1x1024xf32, #tpu.memory_space<vmem>> -> memref<1x1x1x1024xf32, #tpu.memory_space<vmem>>
    %dma_wait3A_135 = tpu.memref_squeeze %dma_wait3A_134 : memref<1x1x1x1024xf32, #tpu.memory_space<vmem>> -> memref<1x1024xf32, #tpu.memory_space<vmem>>
    tpu.wait_dma2 semaphore(%dma_wait3A_127 : memref<!tpu.dma_semaphore, #tpu.memory_space<semaphore_mem>>) src(%dma_wait3A_135 : memref<1x1024xf32, #tpu.memory_space<vmem>>) dst(%dma_wait3A_131 : memref<1x1024xf32, #tpu.memory_space<hbm>>)
    %dma_wait3A_136 = arith.constant 1 : i32
    %dma_wait3A_137 = arith.constant 0 : i32
    %dma_wait3A_138 = arith.constant 0 : i32
    %dma_wait3A_139 = arith.constant 1 : i32
    %dma_wait3A_140 = arith.constant 0 : i32
    %dma_wait3A_141 = arith.constant 0 : i32
    %dma_wait3A_142 = tpu.memref_slice %arg7[%dma_wait3A_136, %dma_wait3A_137, %dma_wait3A_140, %dma_wait3A_141] : memref<2x5x1x1024xf32, #tpu.memory_space<vmem>> -> memref<1x1x1x1024xf32, #tpu.memory_space<vmem>>
    %dma_wait3A_143 = tpu.memref_squeeze %dma_wait3A_142 : memref<1x1x1x1024xf32, #tpu.memory_space<vmem>> -> memref<1x1024xf32, #tpu.memory_space<vmem>>
    %dma_wait3A_144 = arith.constant 0 : i32
    %dma_wait3A_145 = arith.constant 0 : i32
    %dma_wait3A_146 = tpu.memref_slice %arg4[%dma_wait3A_138, %dma_wait3A_144, %dma_wait3A_145] : memref<400x8x1024xf32, #tpu.memory_space<hbm>> -> memref<1x1x1024xf32, #tpu.memory_space<hbm>>
    %dma_wait3A_147 = tpu.memref_squeeze %dma_wait3A_146 : memref<1x1x1024xf32, #tpu.memory_space<hbm>> -> memref<1x1024xf32, #tpu.memory_space<hbm>>
    %dma_wait3A_148 = tpu.memref_slice %arg9[%dma_wait3A_139] : memref<2x!tpu.dma_semaphore, #tpu.memory_space<semaphore_mem>> -> memref<1x!tpu.dma_semaphore, #tpu.memory_space<semaphore_mem>>
    %dma_wait3A_149 = tpu.memref_squeeze %dma_wait3A_148 : memref<1x!tpu.dma_semaphore, #tpu.memory_space<semaphore_mem>> -> memref<!tpu.dma_semaphore, #tpu.memory_space<semaphore_mem>>
    %dma_wait3A_150 = arith.constant 0 : i32
    %dma_wait3A_151 = arith.constant 0 : i32
    %dma_wait3A_152 = tpu.memref_slice %arg4[%dma_wait3A_138, %dma_wait3A_150, %dma_wait3A_151] : memref<400x8x1024xf32, #tpu.memory_space<hbm>> -> memref<1x1x1024xf32, #tpu.memory_space<hbm>>
    %dma_wait3A_153 = tpu.memref_squeeze %dma_wait3A_152 : memref<1x1x1024xf32, #tpu.memory_space<hbm>> -> memref<1x1024xf32, #tpu.memory_space<hbm>>
    %dma_wait3A_154 = arith.constant 0 : i32
    %dma_wait3A_155 = arith.constant 0 : i32
    %dma_wait3A_156 = tpu.memref_slice %arg7[%dma_wait3A_136, %dma_wait3A_137, %dma_wait3A_154, %dma_wait3A_155] : memref<2x5x1x1024xf32, #tpu.memory_space<vmem>> -> memref<1x1x1x1024xf32, #tpu.memory_space<vmem>>
    %dma_wait3A_157 = tpu.memref_squeeze %dma_wait3A_156 : memref<1x1x1x1024xf32, #tpu.memory_space<vmem>> -> memref<1x1024xf32, #tpu.memory_space<vmem>>
    tpu.wait_dma2 semaphore(%dma_wait3A_149 : memref<!tpu.dma_semaphore, #tpu.memory_space<semaphore_mem>>) src(%dma_wait3A_157 : memref<1x1024xf32, #tpu.memory_space<vmem>>) dst(%dma_wait3A_153 : memref<1x1024xf32, #tpu.memory_space<hbm>>)
    %dma_wait3A_158 = arith.constant 1 : i32
    %dma_wait3A_159 = arith.constant 0 : i32
    %dma_wait3A_160 = arith.constant 0 : i32
    %dma_wait3A_161 = arith.constant 1 : i32
    %dma_wait3A_162 = arith.constant 0 : i32
    %dma_wait3A_163 = arith.constant 0 : i32
    %dma_wait3A_164 = tpu.memref_slice %arg7[%dma_wait3A_158, %dma_wait3A_159, %dma_wait3A_162, %dma_wait3A_163] : memref<2x5x1x1024xf32, #tpu.memory_space<vmem>> -> memref<1x1x1x1024xf32, #tpu.memory_space<vmem>>
    %dma_wait3A_165 = tpu.memref_squeeze %dma_wait3A_164 : memref<1x1x1x1024xf32, #tpu.memory_space<vmem>> -> memref<1x1024xf32, #tpu.memory_space<vmem>>
    %dma_wait3A_166 = arith.constant 0 : i32
    %dma_wait3A_167 = arith.constant 0 : i32
    %dma_wait3A_168 = tpu.memref_slice %arg4[%dma_wait3A_160, %dma_wait3A_166, %dma_wait3A_167] : memref<400x8x1024xf32, #tpu.memory_space<hbm>> -> memref<1x1x1024xf32, #tpu.memory_space<hbm>>
    %dma_wait3A_169 = tpu.memref_squeeze %dma_wait3A_168 : memref<1x1x1024xf32, #tpu.memory_space<hbm>> -> memref<1x1024xf32, #tpu.memory_space<hbm>>
    %dma_wait3A_170 = tpu.memref_slice %arg9[%dma_wait3A_161] : memref<2x!tpu.dma_semaphore, #tpu.memory_space<semaphore_mem>> -> memref<1x!tpu.dma_semaphore, #tpu.memory_space<semaphore_mem>>
    %dma_wait3A_171 = tpu.memref_squeeze %dma_wait3A_170 : memref<1x!tpu.dma_semaphore, #tpu.memory_space<semaphore_mem>> -> memref<!tpu.dma_semaphore, #tpu.memory_space<semaphore_mem>>
    %dma_wait3A_172 = arith.constant 0 : i32
    %dma_wait3A_173 = arith.constant 0 : i32
    %dma_wait3A_174 = tpu.memref_slice %arg4[%dma_wait3A_160, %dma_wait3A_172, %dma_wait3A_173] : memref<400x8x1024xf32, #tpu.memory_space<hbm>> -> memref<1x1x1024xf32, #tpu.memory_space<hbm>>
    %dma_wait3A_175 = tpu.memref_squeeze %dma_wait3A_174 : memref<1x1x1024xf32, #tpu.memory_space<hbm>> -> memref<1x1024xf32, #tpu.memory_space<hbm>>
    %dma_wait3A_176 = arith.constant 0 : i32
    %dma_wait3A_177 = arith.constant 0 : i32
    %dma_wait3A_178 = tpu.memref_slice %arg7[%dma_wait3A_158, %dma_wait3A_159, %dma_wait3A_176, %dma_wait3A_177] : memref<2x5x1x1024xf32, #tpu.memory_space<vmem>> -> memref<1x1x1x1024xf32, #tpu.memory_space<vmem>>
    %dma_wait3A_179 = tpu.memref_squeeze %dma_wait3A_178 : memref<1x1x1x1024xf32, #tpu.memory_space<vmem>> -> memref<1x1024xf32, #tpu.memory_space<vmem>>
    tpu.wait_dma2 semaphore(%dma_wait3A_171 : memref<!tpu.dma_semaphore, #tpu.memory_space<semaphore_mem>>) src(%dma_wait3A_179 : memref<1x1024xf32, #tpu.memory_space<vmem>>) dst(%dma_wait3A_175 : memref<1x1024xf32, #tpu.memory_space<hbm>>)
    %dma_wait3A_180 = arith.constant 1 : i32
    %dma_wait3A_181 = arith.constant 0 : i32
    %dma_wait3A_182 = arith.constant 0 : i32
    %dma_wait3A_183 = arith.constant 1 : i32
    %dma_wait3A_184 = arith.constant 0 : i32
    %dma_wait3A_185 = arith.constant 0 : i32
    %dma_wait3A_186 = tpu.memref_slice %arg7[%dma_wait3A_180, %dma_wait3A_181, %dma_wait3A_184, %dma_wait3A_185] : memref<2x5x1x1024xf32, #tpu.memory_space<vmem>> -> memref<1x1x1x1024xf32, #tpu.memory_space<vmem>>
    %dma_wait3A_187 = tpu.memref_squeeze %dma_wait3A_186 : memref<1x1x1x1024xf32, #tpu.memory_space<vmem>> -> memref<1x1024xf32, #tpu.memory_space<vmem>>
    %dma_wait3A_188 = arith.constant 0 : i32
    %dma_wait3A_189 = arith.constant 0 : i32
    %dma_wait3A_190 = tpu.memref_slice %arg4[%dma_wait3A_182, %dma_wait3A_188, %dma_wait3A_189] : memref<400x8x1024xf32, #tpu.memory_space<hbm>> -> memref<1x1x1024xf32, #tpu.memory_space<hbm>>
    %dma_wait3A_191 = tpu.memref_squeeze %dma_wait3A_190 : memref<1x1x1024xf32, #tpu.memory_space<hbm>> -> memref<1x1024xf32, #tpu.memory_space<hbm>>
    %dma_wait3A_192 = tpu.memref_slice %arg9[%dma_wait3A_183] : memref<2x!tpu.dma_semaphore, #tpu.memory_space<semaphore_mem>> -> memref<1x!tpu.dma_semaphore, #tpu.memory_space<semaphore_mem>>
    %dma_wait3A_193 = tpu.memref_squeeze %dma_wait3A_192 : memref<1x!tpu.dma_semaphore, #tpu.memory_space<semaphore_mem>> -> memref<!tpu.dma_semaphore, #tpu.memory_space<semaphore_mem>>
    %dma_wait3A_194 = arith.constant 0 : i32
    %dma_wait3A_195 = arith.constant 0 : i32
    %dma_wait3A_196 = tpu.memref_slice %arg4[%dma_wait3A_182, %dma_wait3A_194, %dma_wait3A_195] : memref<400x8x1024xf32, #tpu.memory_space<hbm>> -> memref<1x1x1024xf32, #tpu.memory_space<hbm>>
    %dma_wait3A_197 = tpu.memref_squeeze %dma_wait3A_196 : memref<1x1x1024xf32, #tpu.memory_space<hbm>> -> memref<1x1024xf32, #tpu.memory_space<hbm>>
    %dma_wait3A_198 = arith.constant 0 : i32
    %dma_wait3A_199 = arith.constant 0 : i32
    %dma_wait3A_200 = tpu.memref_slice %arg7[%dma_wait3A_180, %dma_wait3A_181, %dma_wait3A_198, %dma_wait3A_199] : memref<2x5x1x1024xf32, #tpu.memory_space<vmem>> -> memref<1x1x1x1024xf32, #tpu.memory_space<vmem>>
    %dma_wait3A_201 = tpu.memref_squeeze %dma_wait3A_200 : memref<1x1x1x1024xf32, #tpu.memory_space<vmem>> -> memref<1x1024xf32, #tpu.memory_space<vmem>>
    tpu.wait_dma2 semaphore(%dma_wait3A_193 : memref<!tpu.dma_semaphore, #tpu.memory_space<semaphore_mem>>) src(%dma_wait3A_201 : memref<1x1024xf32, #tpu.memory_space<vmem>>) dst(%dma_wait3A_197 : memref<1x1024xf32, #tpu.memory_space<hbm>>)
    %dma_wait3A_202 = arith.constant 1 : i32
    %dma_wait3A_203 = arith.constant 0 : i32
    %dma_wait3A_204 = arith.constant 0 : i32
    %dma_wait3A_205 = arith.constant 1 : i32
    %dma_wait3A_206 = arith.constant 0 : i32
    %dma_wait3A_207 = arith.constant 0 : i32
    %dma_wait3A_208 = tpu.memref_slice %arg7[%dma_wait3A_202, %dma_wait3A_203, %dma_wait3A_206, %dma_wait3A_207] : memref<2x5x1x1024xf32, #tpu.memory_space<vmem>> -> memref<1x1x1x1024xf32, #tpu.memory_space<vmem>>
    %dma_wait3A_209 = tpu.memref_squeeze %dma_wait3A_208 : memref<1x1x1x1024xf32, #tpu.memory_space<vmem>> -> memref<1x1024xf32, #tpu.memory_space<vmem>>
    %dma_wait3A_210 = arith.constant 0 : i32
    %dma_wait3A_211 = arith.constant 0 : i32
    %dma_wait3A_212 = tpu.memref_slice %arg4[%dma_wait3A_204, %dma_wait3A_210, %dma_wait3A_211] : memref<400x8x1024xf32, #tpu.memory_space<hbm>> -> memref<1x1x1024xf32, #tpu.memory_space<hbm>>
    %dma_wait3A_213 = tpu.memref_squeeze %dma_wait3A_212 : memref<1x1x1024xf32, #tpu.memory_space<hbm>> -> memref<1x1024xf32, #tpu.memory_space<hbm>>
    %dma_wait3A_214 = tpu.memref_slice %arg9[%dma_wait3A_205] : memref<2x!tpu.dma_semaphore, #tpu.memory_space<semaphore_mem>> -> memref<1x!tpu.dma_semaphore, #tpu.memory_space<semaphore_mem>>
    %dma_wait3A_215 = tpu.memref_squeeze %dma_wait3A_214 : memref<1x!tpu.dma_semaphore, #tpu.memory_space<semaphore_mem>> -> memref<!tpu.dma_semaphore, #tpu.memory_space<semaphore_mem>>
    %dma_wait3A_216 = arith.constant 0 : i32
    %dma_wait3A_217 = arith.constant 0 : i32
    %dma_wait3A_218 = tpu.memref_slice %arg4[%dma_wait3A_204, %dma_wait3A_216, %dma_wait3A_217] : memref<400x8x1024xf32, #tpu.memory_space<hbm>> -> memref<1x1x1024xf32, #tpu.memory_space<hbm>>
    %dma_wait3A_219 = tpu.memref_squeeze %dma_wait3A_218 : memref<1x1x1024xf32, #tpu.memory_space<hbm>> -> memref<1x1024xf32, #tpu.memory_space<hbm>>
    %dma_wait3A_220 = arith.constant 0 : i32
    %dma_wait3A_221 = arith.constant 0 : i32
    %dma_wait3A_222 = tpu.memref_slice %arg7[%dma_wait3A_202, %dma_wait3A_203, %dma_wait3A_220, %dma_wait3A_221] : memref<2x5x1x1024xf32, #tpu.memory_space<vmem>> -> memref<1x1x1x1024xf32, #tpu.memory_space<vmem>>
    %dma_wait3A_223 = tpu.memref_squeeze %dma_wait3A_222 : memref<1x1x1x1024xf32, #tpu.memory_space<vmem>> -> memref<1x1024xf32, #tpu.memory_space<vmem>>
    tpu.wait_dma2 semaphore(%dma_wait3A_215 : memref<!tpu.dma_semaphore, #tpu.memory_space<semaphore_mem>>) src(%dma_wait3A_223 : memref<1x1024xf32, #tpu.memory_space<vmem>>) dst(%dma_wait3A_219 : memref<1x1024xf32, #tpu.memory_space<hbm>>)
    return
  }
}

</mosaic_0001>

<sc_bundles>
// kernel: kernel.3.cloned.1.call-start
scs
__scs_entry_jumppad:
0x0: {  	(pc) =	sbr.rel $0x88, $3  }
0x1: {  	(tag) =	ssettag $0x0;
	lr =	simm.s32 $0x1  }
0x2: {  	[smem:$0x3F9F] =	sst lr;
	_ =	strace $0xD0000000  }
0x3: {  	_ = 	snop  }
0x4: {  	_ = 	snop  }
0x5: {  	_ = 	snop  }
0x6: {  	_ = 	snop  }
0x7: {  	_ = 	snop  }
__scs_overlays_trampoline_lowered:
0x8: {  	[smem:$0x3FAE] =	sst s0  }
0x9: {  	[smem:$0x3FAF] =	sst s1  }
0xa: {  	[smem:$0x3FB0] =	sst s2  }
0xb: {  	[smem:$0x3FB1] =	sst s3  }
0xc: {  	[smem:$0x3FB2] =	sst s4  }
0xd: {  	[smem:$0x3FB3] =	sst s5  }
0xe: {  	[smem:$0x3FB4] =	sst s6  }
0xf: {  	[smem:$0x3FB5] =	sst s7  }
0x10: {  	[smem:$0x3FB6] =	sst s8  }
0x11: {  	[smem:$0x3FB7] =	sst s9;
	s0 =	simm.s32 @!p0 $0x0  }
0x12: {  	s1 =	sld [smem:$0x3F9D];
	s0 =	simm.s32 @p0 $0x1  }
0x13: {  	[smem:$0x3FB8] =	sst s0;
	s0 =	simm.s32 @!p1 $0x0  }
0x14: {  	s2 =	sld [smem:$0x3F9C];
	s0 =	simm.s32 @p1 $0x1  }
0x15: {  	[smem:$0x3FB9] =	sst s0;
	s0 =	simm.s32 @!p2 $0x0  }
0x16: {  	s3 =	sld [smem:$0x3FDB];
	s0 =	simm.s32 @p2 $0x1  }
0x17: {  	s4 =	simm.s32 $0x1BF5;
	[smem:$0x3FBB] =	sst s0  }
0x18: {  	s0 =	sld [smem:$0x3F9E];
	_ =	swait.ge [sflag:s4], $0x0  }
0x19: {  	s7 =	sld [smem:$0x3F9F]  }
0x1a: {  	s8 =	sadd.s32 $0xFFFFE003, lr  }
0x1b: {  	s9 =	sadd.s32 $0xFFFFFEF7, lr;
	s5 =	simm.s32 $0xFFFFFFFF;
	p2 =	slt.u32 s8, $0xFFFFF086  }
0x1c: {  	p1 =	slt.u32 s9, $0xF7A;
	s5 =	simm.s32 @!p2 $0x0  }
0x1d: {  	s5 =	simm.s32 @p1 $0x1;
	p0 =	seq.s32 s7, s2  }
0x1e: {  	s7 =	smul.u32 @!p0 $0xF7A, s2;
	p2 =	seq.s32 @!p0 s5, $0x0  }
0x1f: {  	s9 =	smul.u32 $0xF7A, s1;
	s8 =	simm.s32 @!p0 $0x1BF5;
	p2 =	por !p2, p0  }
0x20: {  	[sflag:s8] =	ssyncset.s32 @!p0 $0xFFFFF086;
	s6 =	sadd.s32 @!p0 s3, s7;
	s7 =	simm.s32 @!p0 $0x108  }
0x21: {  	s3 =	sadd.s32 s3, s9;
	s6 =	sadd.s32 @!p0 $0x88, s6;
	s7 =	simm.s32 @p2 $0x1082  }
0x22: {  	[simem:s7], [sflag:s8] =	dma.local @!p0 [hbm:s6], $0xF7A  }
0x23: {  	s9 =	sor.u32 $0xD0000000, s2;
	s6 =	simm.s32 $0x108;
	_ =	swait.ge @!p0 [sflag:s8], $0x0  }
0x24: {  	s3 =	sadd.s32 $0x88, s3;
	s6 =	simm.s32 @!p1 $0x1082;
	[sflag:s4] =	ssyncset.s32 $0xFFFFF086  }
0x25: {  	[simem:s6], [sflag:s4] =	dma.local [hbm:s3], $0xF7A  }
0x26: {  	[smem:$0x3F9F] =	sst s1;
	(tag) =	ssettag s2;
	_ =	strace s9  }
0x27: {  	s1 =	sld [smem:$0x3FAF]  }
0x28: {  	s2 =	sld [smem:$0x3FB0]  }
0x29: {  	s4 =	sld [smem:$0x3FB2]  }
0x2a: {  	p0 =	seq.s32 s5, $0x0;
	s5 =	sld [smem:$0x3FB3]  }
0x2b: {  	s6 =	sld [smem:$0x3FB4]  }
0x2c: {  	s7 =	sld [smem:$0x3FB5]  }
0x2d: {  	s3 =	simm.s32 $0x108;
	s8 =	sld [smem:$0x3FB6]  }
0x2e: {  	s3 =	simm.s32 @!p0 $0x1082;
	s9 =	sld [smem:$0x3FB7]  }
0x2f: {  	lr =	sadd.s32 s0, s3;
	s0 =	sld [smem:$0x3FAE]  }
0x30: {  	s3 =	sld [smem:$0x3FB1]  }
0x31: {  	[smem:$0x3FBA] =	sst s10  }
0x32: {  	s10 =	sld [smem:$0x3FB8];
	_ =	sdelay $0x3  }
0x33: {  	p0 =	seq.s32 s10, $0x1;
	s10 =	sld [smem:$0x3FBA];
	_ =	sdelay $0x3  }
0x34: {  	[smem:$0x3FBA] =	sst s10  }
0x35: {  	s10 =	sld [smem:$0x3FB9];
	_ =	sdelay $0x3  }
0x36: {  	p1 =	seq.s32 s10, $0x1;
	s10 =	sld [smem:$0x3FBA];
	_ =	sdelay $0x3  }
0x37: {  	[smem:$0x3FBA] =	sst s10  }
0x38: {  	s10 =	sld [smem:$0x3FBB]  }
0x39: {  	_ = 	snop;
	(pc) =	sbr.ind lr, $3  }
0x3a: {  	_ = 	snop  }
0x3b: {  	_ = 	snop  }
0x3c: {  	p2 =	seq.s32 s10, $0x1;
	s10 =	sld [smem:$0x3FBA]  }
0x3d: {  	_ =	shalt  }
0x3e: {  	_ =	shalt  }
0x3f: {  	_ =	shalt  }
0x40: {  	_ =	shalt  }
0x41: {  	_ =	shalt  }
0x42: {  	_ =	shalt  }
0x43: {  	_ =	shalt  }
0x44: {  	_ =	shalt  }
0x45: {  	_ =	shalt  }
0x46: {  	_ =	shalt  }
0x47: {  	_ =	shalt  }
0x48: {  	_ =	shalt  }
0x49: {  	_ =	shalt  }
0x4a: {  	_ =	shalt  }
0x4b: {  	_ =	shalt  }
0x4c: {  	_ =	shalt  }
0x4d: {  	_ =	shalt  }
0x4e: {  	_ =	shalt  }
0x4f: {  	_ =	shalt  }
0x50: {  	_ =	shalt  }
0x51: {  	_ =	shalt  }
0x52: {  	_ =	shalt  }
0x53: {  	_ =	shalt  }
0x54: {  	_ =	shalt  }
0x55: {  	_ =	shalt  }
0x56: {  	_ =	shalt  }
0x57: {  	_ =	shalt  }
0x58: {  	_ =	shalt  }
0x59: {  	_ =	shalt  }
0x5a: {  	_ =	shalt  }
0x5b: {  	_ =	shalt  }
0x5c: {  	_ =	shalt  }
0x5d: {  	_ =	shalt  }
0x5e: {  	_ =	shalt  }
0x5f: {  	_ =	shalt  }
0x60: {  	_ =	shalt  }
0x61: {  	_ =	shalt  }
0x62: {  	_ =	shalt  }
0x63: {  	_ =	shalt  }
0x64: {  	_ =	shalt  }
0x65: {  	_ =	shalt  }
0x66: {  	_ =	shalt  }
0x67: {  	_ =	shalt  }
0x68: {  	_ =	shalt  }
0x69: {  	_ =	shalt  }
0x6a: {  	_ =	shalt  }
0x6b: {  	_ =	shalt  }
0x6c: {  	_ =	shalt  }
0x6d: {  	_ =	shalt  }
0x6e: {  	_ =	shalt  }
0x6f: {  	_ =	shalt  }
0x70: {  	_ =	shalt  }
0x71: {  	_ =	shalt  }
0x72: {  	_ =	shalt  }
0x73: {  	_ =	shalt  }
0x74: {  	_ =	shalt  }
0x75: {  	_ =	shalt  }
0x76: {  	_ =	shalt  }
0x77: {  	_ =	shalt  }
0x78: {  	_ =	shalt  }
0x79: {  	_ =	shalt  }
0x7a: {  	_ =	shalt  }
0x7b: {  	_ =	shalt  }
0x7c: {  	_ =	shalt  }
0x7d: {  	_ =	shalt  }
0x7e: {  	_ =	shalt  }
0x7f: {  	_ =	shalt  }
0x80: {  	_ =	shalt  }
0x81: {  	_ =	shalt  }
0x82: {  	_ =	shalt  }
0x83: {  	_ =	shalt  }
0x84: {  	_ =	shalt  }
0x85: {  	_ =	shalt  }
0x86: {  	_ =	shalt  }
0x87: {  	_ =	shalt  }
.Lfunc_end0:
.L_simem_size_0:
called_computation_lowered:
.L_overlay_start_0:
0x88: {  	s2 =	sld [smem:$0x3FD9]  }
0x89: {  	s3 =	sld [smem:$0x3FFE];
	_ =	sdelay $0x1  }
0x8a: {  	s1 =	srdreg.scid  }
0x8b: {  	s0 =	sand.u32 $0x1, s1  }
0x8c: {  	s18 =	sshll.u32 s0, $0xA;
	s2 =	sadd.s32 s3, s2  }
0x8d: {  	s2 =	sadd.s32 s2, s18  }
0x8e: {  	[smem:$0x3FC6] =	sst s2  }
0x8f: {  	_ = 	snop  }
0x90: {  	s2 =	sld [smem:$0x3FC9]  }
0x91: {  	s19 =	sld [smem:$0x3FC8]  }
0x92: {  	s4 =	sld [smem:$0x3FD0];
	(tm) =	ssettm $0x1  }
0x93: {  	s5 =	sld [smem:$0x3FFB];
	_ =	sdelay $0x3  }
0x94: {  	_ =	strace s5  }
0x95: {  	s5 =	sld [smem:$0x3FFC];
	_ =	sdelay $0x3  }
0x96: {  	_ =	strace s5  }
0x97: {  	s5 =	sld [smem:$0x3FFD];
	_ =	sdelay $0x3  }
0x98: {  	_ =	strace s5  }
0x99: {  	_ =	strace $0x8FFFFFFF  }
0x9a: {  	s20 =	sld [smem:$0x3FDB];
	_ =	sdelay $0x1  }
0x9b: {  	s6 =	simm.s32 $_scs_section_size  }
0x9c: {  	s7 =	simm.s32 $_size__tile_overlayer_lowered;
	s8 =	simm.s32 $_tile_overlayer_lowered  }
0x9d: {  	s23 =	simm.s32 $0x1BFF;
	s22 =	sshll.u32 s8, $0x1;
	s5 =	sadd.s32 s6, s20  }
0x9e: {  	s9 =	simm.s32 $0x0;
	s21 =	sshll.u32 s7, $0x1;
	s7 =	sadd.s32 s22, s5  }
0x9f: {  	[timem:s9], [sflag:s23] =	dma.local [hbm:s7], s21  }
0xa0: {  	_ =	swait.ge [sflag:s23], s21  }
0xa1: {  	s6 =	ssub.s32 $0x0, s21;
	[sflag:s23] =	ssyncset.done $0x0  }
0xa2: {  	[sflag:s23] =	ssyncadd.s32 s6;
	_ =	sdelay $0x1  }
0xa3: {  	s24 =	simm.s32 $0x1B8B  }
0xa4: {  	_ =	swait.ge [sflag:s24], $0x1  }
0xa5: {  	[sflag:s24] =	ssyncset.done $0x0  }
0xa6: {  	s25 =	simm.s32 $0x1B8E;
	[sflag:s24] =	ssyncadd.s32 $0xFFFFFFFF  }
0xa7: {  	s26 =	simm.s32 $execute0_lowered;
	[smem:$0x3FD2] =	sst s25  }
0xa8: {  	s6 =	sshll.u32 s26, $0x1;
	_ =	strace $0x80000046;
	[dreg:$0x1] =	wrdreg $0xFFFFFFFF  }
0xa9: {  	s28 =	simm.s32 $_size_execute0_lowered;
	s5 =	sadd.s32 s5, s6;
	[dreg:$0x0] =	wrdreg $0x0  }
0xaa: {  	s6 =	sshll.u32 s28, $0x1;
	[dreg:$0x2] =	wrdreg s5  }
0xab: {  	[dreg:$0x3] =	wrdreg s6  }
0xac: {  	[dreg:$0x4] =	wrdreg $0xC0  }
0xad: {  	_ =	task [dreg:s9], $0x5FFFF  }
0xae: {  	[dreg:$0x1] =	wrdreg $0xFFFFFFFF  }
0xaf: {  	[dreg:$0x0] =	wrdreg $0x60  }
0xb0: {  	[dreg:$0x2] =	wrdreg s19  }
0xb1: {  	[dreg:$0x3] =	wrdreg s2  }
0xb2: {  	[dreg:$0x4] =	wrdreg s4  }
0xb3: {  	[dreg:$0x5] =	wrdreg $0x9  }
0xb4: {  	_ =	task.clear_ibuf [dreg:s9], $0x6FFFF;
	_ =	strace $0x90000046  }
0xb5: {  	s29 =	simm.s32 $0x9;
	_ =	strace $0x80000048  }
0xb6: {  	_ =	swait.ge [sflag:s29], $0x1  }
0xb7: {  	[sflag:s29] =	ssyncadd.s32 $0xFFFFFFFF  }
0xb8: {  	_ =	strace $0x90000048  }
0xb9: {  	_ =	sfence  }
0xba: {  	s30 =	sld [smem:$0x0];
	_ =	sdelay $0x2  }
0xbb: {  	s31 =	sshll.u32 s1, $0xD;
	s1 =	sshrl.u32 s1, $0x2  }
0xbc: {  	s3 =	sand.u32 $0x4000, s31;
	s1 =	sadd.s32 s1, s30  }
0xbd: {  	s0 =	sor.u32 s3, s0;
	s1 =	sshll.u32 s1, $0x11  }
0xbe: {  	s0 =	sor.u32 s1, s0  }
0xbf: {  	s0 =	sadd.s32 $0x8F2B, s0  }
0xc0: {  	[sflag:s0] =	ssyncadd.remote.s32 $0x1  }
0xc1: {  	_ =	sfence.sel $0xFFFF  }
0xc2: {  	[dreg:$0x0] =	wrdreg $0xFFFFFFFF;
	(pc) =	sbr.abs _section_cstart, $3  }
0xc3: {  	[dreg:$0x1] =	wrdreg $0xFFFFFFFF  }
0xc4: {  	_ =	task.clear_ibuf [dreg:s9], $0x2FFFF;
	_ =	strace $0x9FFFFFFF  }
0xc5: {  	(tm) =	ssettm $0x7FFFFFFF  }
tec
execute0_lowered:
.L_overlay_start_1:
0x0: {  	(tag) =	ssettag $0x1  }
0x1: {  	s2 =	rddreg [dreg:$0x1]  }
0x2: {  	s3 =	rddreg [dreg:$0x2];
	s0 =	srdreg.scid  }
0x3: {  	s5 =	simm.s32 $0x0;
	s6 =	stileid.u32;
	s28 =	simm.s32 $0x5  }
0x4: {  	s30 =	simm.s32 $0x0;
	s8 =	sand.u32 $0x1, s0;
	[smem:$0x7FF] =	sst s5  }
0x5: {  	s4 =	sshll.u32 s6, $0x9;
	s7 =	sshrl.u32 s6, $0x1;
	s29 =	sadd.s32 $0x50, s2  }
0x6: {  	s31 =	sadd.s32 $0x10, s2;
	s12 =	sadd.s32 $0x60, s2;
	s13 =	sadd.s32 $0x20, s2  }
0x7: {  	s14 =	sadd.s32 $0x70, s2;
	s15 =	sadd.s32 $0x30, s2;
	s16 =	sadd.s32 $0x400, s2  }
0x8: {  	s17 =	sadd.s32 $0x40, s2;
	s18 =	sadd.s32 $0x410, s2;
	s0 =	ssub.s32 $0x2, s8  }
0x9: {  	_ =	strace $0x80000047;
	[dreg:$0x4] =	wrdreg s8;
	s24 =	sshll.u32 s8, $0x8  }
0xa: {  	s4 =	sand.u32 $0x200, s4;
	s26 =	smul.u32 $0xC3800, s7;
	[dreg:$0x7] =	wrdreg s29  }
0xb: {  	[dreg:$0x8] =	wrdreg s31;
	s19 =	sor.u32 $0x8, s7;
	s20 =	sor.u32 $0x10, s7  }
0xc: {  	s21 =	sor.u32 $0x18, s7;
	s1 =	sshrl.u32 s0, $0x1;
	s25 =	sor.u32 s4, s24  }
0xd: {  	s22 =	sor.u32 $0x20, s7;
	s0 =	ssub.s32 s0, s1;
	[dreg:$0x5] =	wrdreg s25  }
0xe: {  	s24 =	simm.s32 $0x80;
	[dreg:$0x6] =	wrdreg s26;
	s0 =	smax.u32 s0, $0x1  }
0xf: {  	s4 =	simm.s32 $0x0;
	s25 =	simm.s32 $0x400;
	[dreg:$0x9] =	wrdreg s0  }
.LBB2_1:
0x10: {  	[dreg:$0xa] =	wrdreg s4  }
0x11: {  	p1 =	por $0x1, $0x1;
	p2 =	por $0x0, $0x0;
	s0 =	simm.s32 $0x0  }
.LBB2_2:
0x12: {  	s1 =	rddreg [dreg:$0x4]  }
0x13: {  	s0 =	sxor.u32 s1, s0  }
0x14: {  	s8 =	rddreg [dreg:$0x5];
	s0 =	sshll.u32 s0, $0x7  }
0x15: {  	s9 =	rddreg [dreg:$0x6];
	s29 =	sor.u32 s8, s0  }
0x16: {  	s0 =	sor.u32 s9, s29  }
0x17: {  	s10 =	rddreg [dreg:$0x0];
	s0 =	sshrl.u32 s0, $0x3  }
0x18: {  	s0 =	sadd.s32 s10, s0  }
0x19: {  	[tilespmem:s5], [sflag:$0x5] =	stream.strided.gather [hbm4b:s0+s24], $0x18700, s25, s24, $0x38;
	[tilespmem:$0x1D700] =	vst v63  }
0x1a: {  	s11 =	simm.s32 $0x18700  }
0x1b: {  	[tilespmem:s11], [sflag:$0x1] =	stream.strided.gather [hbm4b:s2+s24], $0x400, s25, s24, $0x38;
	[tilespmem:$0x1D700] =	vst v63  }
0x1c: {  	s23 =	rddreg [dreg:$0x7];
	s26 =	simm.s32 $0x19B00  }
0x1d: {  	[tilespmem:s26], [sflag:$0x2] =	stream.strided.gather [hbm4b:s23+s24], $0x400, s25, s24, $0x38;
	[tilespmem:$0x1D700] =	vst v63  }
0x1e: {  	s4 =	simm.s32 $0x18B00;
	s1 =	rddreg [dreg:$0x8]  }
0x1f: {  	[tilespmem:s4], [sflag:$0x1] =	stream.strided.gather [hbm4b:s1+s24], $0x400, s25, s24, $0x38;
	[tilespmem:$0x1D700] =	vst v63  }
0x20: {  	s6 =	simm.s32 $0x19F00  }
0x21: {  	[tilespmem:s6], [sflag:$0x2] =	stream.strided.gather [hbm4b:s12+s24], $0x400, s25, s24, $0x38;
	[tilespmem:$0x1D700] =	vst v63  }
0x22: {  	s8 =	simm.s32 $0x18F00  }
0x23: {  	[tilespmem:s8], [sflag:$0x1] =	stream.strided.gather [hbm4b:s13+s24], $0x400, s25, s24, $0x38;
	[tilespmem:$0x1D700] =	vst v63  }
0x24: {  	s9 =	simm.s32 $0x1A300  }
0x25: {  	[tilespmem:s9], [sflag:$0x2] =	stream.strided.gather [hbm4b:s14+s24], $0x400, s25, s24, $0x38;
	[tilespmem:$0x1D700] =	vst v63  }
0x26: {  	s10 =	simm.s32 $0x19300  }
0x27: {  	[tilespmem:s10], [sflag:$0x1] =	stream.strided.gather [hbm4b:s15+s24], $0x400, s25, s24, $0x38;
	[tilespmem:$0x1D700] =	vst v63  }
0x28: {  	s11 =	simm.s32 $0x1A700  }
0x29: {  	[tilespmem:s11], [sflag:$0x2] =	stream.strided.gather [hbm4b:s16+s24], $0x400, s25, s24, $0x38;
	[tilespmem:$0x1D700] =	vst v63  }
0x2a: {  	s23 =	simm.s32 $0x19700  }
0x2b: {  	[tilespmem:s23], [sflag:$0x1] =	stream.strided.gather [hbm4b:s17+s24], $0x400, s25, s24, $0x38;
	[tilespmem:$0x1D700] =	vst v63  }
0x2c: {  	s0 =	simm.s32 @p2 $0x3;
	s26 =	simm.s32 $0x1AB00  }
0x2d: {  	[tilespmem:s26], [sflag:$0x2] =	stream.strided.gather [hbm4b:s18+s24], $0x400, s25, s24, $0x38;
	[tilespmem:$0x1D700] =	vst v63  }
0x2e: {  	_ =	swait.ge @p2 [sflag:s0], $0x400  }
0x2f: {  	[sflag:s0] =	ssyncset.done @p2 $0x0  }
0x30: {  	[sflag:s0] =	ssyncadd.s32 @p2 $0xFFFFFC00  }
0x31: {  	_ =	swait.ge @p2 [sflag:s0], $0x400  }
0x32: {  	[sflag:s0] =	ssyncset.done @p2 $0x0  }
0x33: {  	[sflag:s0] =	ssyncadd.s32 @p2 $0xFFFFFC00  }
0x34: {  	_ =	swait.ge @p2 [sflag:s0], $0x400  }
0x35: {  	[sflag:s0] =	ssyncset.done @p2 $0x0  }
0x36: {  	[sflag:s0] =	ssyncadd.s32 @p2 $0xFFFFFC00  }
0x37: {  	_ =	swait.ge @p2 [sflag:s0], $0x400  }
0x38: {  	[sflag:s0] =	ssyncset.done @p2 $0x0  }
0x39: {  	[sflag:s0] =	ssyncadd.s32 @p2 $0xFFFFFC00  }
0x3a: {  	_ =	swait.ge @p2 [sflag:s0], $0x400  }
0x3b: {  	[sflag:s0] =	ssyncset.done @p2 $0x0  }
0x3c: {  	[sflag:s0] =	ssyncadd.s32 @p2 $0xFFFFFC00;
	s0 =	simm.s32 @p2 $0x4  }
0x3d: {  	_ =	swait.ge @p2 [sflag:s0], $0x400  }
0x3e: {  	[sflag:s0] =	ssyncset.done @p2 $0x0  }
0x3f: {  	[sflag:s0] =	ssyncadd.s32 @p2 $0xFFFFFC00  }
0x40: {  	_ =	swait.ge @p2 [sflag:s0], $0x400  }
0x41: {  	[sflag:s0] =	ssyncset.done @p2 $0x0  }
0x42: {  	[sflag:s0] =	ssyncadd.s32 @p2 $0xFFFFFC00  }
0x43: {  	_ =	swait.ge @p2 [sflag:s0], $0x400  }
0x44: {  	[sflag:s0] =	ssyncset.done @p2 $0x0  }
0x45: {  	[sflag:s0] =	ssyncadd.s32 @p2 $0xFFFFFC00  }
0x46: {  	_ =	swait.ge @p2 [sflag:s0], $0x400  }
0x47: {  	[sflag:s0] =	ssyncset.done @p2 $0x0  }
0x48: {  	[sflag:s0] =	ssyncadd.s32 @p2 $0xFFFFFC00  }
0x49: {  	_ =	swait.ge @p2 [sflag:s0], $0x400  }
0x4a: {  	[sflag:s0] =	ssyncset.done @p2 $0x0  }
0x4b: {  	[sflag:s0] =	ssyncadd.s32 @p2 $0xFFFFFC00  }
0x4c: {  	_ =	swait.ge [sflag:s28], $0x18700  }
0x4d: {  	[sflag:s28] =	ssyncset.done $0x0  }
0x4e: {  	p0 =	por p1, p1;
	s31 =	simm.s32 $0x0;
	[sflag:s28] =	ssyncadd.s32 $0xFFFE7900  }
.LBB2_3:
0x4f: {  	s1 =	sand.u32 $0x1, s31  }
0x50: {  	s0 =	sadd.s32 $0x1, s1  }
0x51: {  	_ =	swait.ge [sflag:s0], $0x400  }
0x52: {  	[sflag:s0] =	ssyncset.done $0x0  }
0x53: {  	[sflag:s0] =	ssyncadd.s32 $0xFFFFFC00  }
0x54: {  	_ =	swait.ge [sflag:s0], $0x400  }
0x55: {  	[sflag:s0] =	ssyncset.done $0x0  }
0x56: {  	[sflag:s0] =	ssyncadd.s32 $0xFFFFFC00  }
0x57: {  	_ =	swait.ge [sflag:s0], $0x400  }
0x58: {  	[sflag:s0] =	ssyncset.done $0x0  }
0x59: {  	[sflag:s0] =	ssyncadd.s32 $0xFFFFFC00  }
0x5a: {  	_ =	swait.ge [sflag:s0], $0x400  }
0x5b: {  	[sflag:s0] =	ssyncset.done $0x0  }
0x5c: {  	[sflag:s0] =	ssyncadd.s32 $0xFFFFFC00  }
0x5d: {  	_ =	swait.ge [sflag:s0], $0x400  }
0x5e: {  	p1 =	slt.u32 s31, $0x2;
	[sflag:s0] =	ssyncset.done $0x0  }
0x5f: {  	s6 =	sadd.s32 @!p1 $0x3, s1;
	[sflag:s0] =	ssyncadd.s32 $0xFFFFFC00  }
0x60: {  	_ =	swait.ge @!p1 [sflag:s6], $0x400  }
0x61: {  	[sflag:s6] =	ssyncset.done @!p1 $0x0  }
0x62: {  	[sflag:s6] =	ssyncadd.s32 @!p1 $0xFFFFFC00  }
0x63: {  	_ =	swait.ge @!p1 [sflag:s6], $0x400  }
0x64: {  	[sflag:s6] =	ssyncset.done @!p1 $0x0  }
0x65: {  	[sflag:s6] =	ssyncadd.s32 @!p1 $0xFFFFFC00  }
0x66: {  	_ =	swait.ge @!p1 [sflag:s6], $0x400  }
0x67: {  	[sflag:s6] =	ssyncset.done @!p1 $0x0  }
0x68: {  	[sflag:s6] =	ssyncadd.s32 @!p1 $0xFFFFFC00  }
0x69: {  	_ =	swait.ge @!p1 [sflag:s6], $0x400  }
0x6a: {  	[sflag:s6] =	ssyncset.done @!p1 $0x0  }
0x6b: {  	s4 =	smul.u32 $0x1400, s1;
	[sflag:s6] =	ssyncadd.s32 @!p1 $0xFFFFFC00  }
0x6c: {  	s8 =	sand.u32 $0x1C00, s30;
	_ =	swait.ge @!p1 [sflag:s6], $0x400  }
0x6d: {  	s9 =	sand.u32 $0x300, s30;
	s8 =	sadd.s32 s4, s8;
	[sflag:s6] =	ssyncset.done @!p1 $0x0  }
0x6e: {  	[sflag:s6] =	ssyncadd.s32 @!p1 $0xFFFFFC00;
	s6 =	sor.u32 s9, s8  }
0x6f: {  	v0 =	vld [tilespmem:s6+$0x187F0]  }
0x70: {  	v3 =	vld [tilespmem:s6+$0x18700]  }
0x71: {  	v4 =	vld [tilespmem:s6+$0x18710]  }
0x72: {  	v5 =	vld [tilespmem:s6+$0x18720]  }
0x73: {  	v6 =	vld [tilespmem:s6+$0x18730]  }
0x74: {  	v7 =	vld [tilespmem:s6+$0x18740]  }
0x75: {  	v8 =	vld [tilespmem:s6+$0x18750]  }
0x76: {  	v9 =	vld [tilespmem:s6+$0x18760]  }
0x77: {  	v11 =	vld [tilespmem:s6+$0x18770]  }
0x78: {  	v12 =	vld [tilespmem:s6+$0x18780]  }
0x79: {  	v13 =	vld [tilespmem:s6+$0x18790]  }
0x7a: {  	v14 =	vld [tilespmem:s6+$0x187A0]  }
0x7b: {  	v15 =	vld [tilespmem:s6+$0x187B0]  }
0x7c: {  	v2 =	vld [tilespmem:s6+$0x187C0]  }
0x7d: {  	v1 =	vld [tilespmem:s6+$0x187D0]  }
0x7e: {  	v10 =	vld.idx.msk [tilespmem:v0+s5+$0x0], $0xffff  }
0x7f: {  	v0 =	vld [tilespmem:s6+$0x187E0]  }
0x80: {  	v3 =	vld.idx.msk [tilespmem:v3+s5+$0x0], $0xffff  }
0x81: {  	v4 =	vld.idx.msk [tilespmem:v4+s5+$0x0], $0xffff  }
0x82: {  	v5 =	vld.idx.msk [tilespmem:v5+s5+$0x0], $0xffff  }
0x83: {  	v16 =	vld.idx.msk [tilespmem:v6+s5+$0x0], $0xffff  }
0x84: {  	v7 =	vld.idx.msk [tilespmem:v7+s5+$0x0], $0xffff  }
0x85: {  	v6 =	vld.idx.msk [tilespmem:v11+s5+$0x0], $0xffff;
	[tilespmem:s6+$0x1AFF0] =	vst v10  }
0x86: {  	v10 =	vld.idx.msk [tilespmem:v8+s5+$0x0], $0xffff;
	[tilespmem:s6+$0x1AF00] =	vst v3  }
0x87: {  	v8 =	vld.idx.msk [tilespmem:v9+s5+$0x0], $0xffff;
	[tilespmem:s6+$0x1AF10] =	vst v4  }
0x88: {  	[tilespmem:s6+$0x1AF20] =	vst v5;
	v4 =	vld.idx.msk [tilespmem:v12+s5+$0x0], $0xffff  }
0x89: {  	[tilespmem:s6+$0x1AF30] =	vst v16;
	v3 =	vld.idx.msk [tilespmem:v13+s5+$0x0], $0xffff  }
0x8a: {  	s23 =	smul.u32 $0x5, s31;
	[tilespmem:s6+$0x1AF40] =	vst v7;
	v5 =	vld.idx.msk [tilespmem:v14+s5+$0x0], $0xffff  }
0x8b: {  	s26 =	sadd.s32 $0x18700, s4;
	s8 =	simm.s32 $0x0;
	s9 =	simm.s32 $0x100;
	v7 =	vld.idx.msk [tilespmem:v15+s5+$0x0], $0xffff;
	[tilespmem:s6+$0x1AF50] =	vst v10  }
.LBB2_4:
0x8c: {  	s10 =	sand.u32 $0x1C00, s9;
	s8 =	sadd.s32 $0x10, s8;
	[tilespmem:s6+$0x1AF60] =	vst v8;
	v2 =	vld.idx.msk [tilespmem:v2+s5+$0x0], $0xffff  }
0x8d: {  	s11 =	sand.u32 $0x300, s9;
	s10 =	sadd.s32 s4, s10;
	p1 =	slt.u32 s8, $0x130;
	[tilespmem:s6+$0x1AF70] =	vst v6;
	v1 =	vld.idx.msk [tilespmem:v1+s5+$0x0], $0xffff  }
0x8e: {  	s10 =	sor.u32 s11, s10;
	[tilespmem:s6+$0x1AF80] =	vst v4;
	v0 =	vld.idx.msk [tilespmem:v0+s5+$0x0], $0xffff  }
0x8f: {  	v4 =	vld [tilespmem:s10+$0x187F0];
	[tilespmem:s6+$0x1AF90] =	vst v3  }
0x90: {  	v3 =	vld [tilespmem:s10+$0x18700];
	[tilespmem:s6+$0x1AFA0] =	vst v5  }
0x91: {  	v5 =	vld [tilespmem:s10+$0x18710];
	[tilespmem:s6+$0x1AFB0] =	vst v7  }
0x92: {  	v6 =	vld [tilespmem:s10+$0x18720];
	[tilespmem:s6+$0x1AFC0] =	vst v2  }
0x93: {  	v7 =	vld [tilespmem:s10+$0x18730];
	[tilespmem:s6+$0x1AFD0] =	vst v1  }
0x94: {  	v8 =	vld [tilespmem:s10+$0x18740];
	[tilespmem:s6+$0x1AFE0] =	vst v0;
	s6 =	smov.u32 s10  }
0x95: {  	v9 =	vld [tilespmem:s6+$0x18750]  }
0x96: {  	v10 =	vld [tilespmem:s6+$0x18760]  }
0x97: {  	v0 =	vld.idx.msk [tilespmem:v4+s5+$0x0], $0xffff  }
0x98: {  	v4 =	vld [tilespmem:s6+$0x18770]  }
0x99: {  	v11 =	vld [tilespmem:s6+$0x18780]  }
0x9a: {  	v12 =	vld [tilespmem:s6+$0x18790]  }
0x9b: {  	v13 =	vld [tilespmem:s6+$0x187A0]  }
0x9c: {  	v14 =	vld [tilespmem:s6+$0x187B0]  }
0x9d: {  	v2 =	vld [tilespmem:s6+$0x187C0];
	[tilespmem:s6+$0x1AFF0] =	vst v0  }
0x9e: {  	v1 =	vld [tilespmem:s6+$0x187D0]  }
0x9f: {  	v0 =	vld [tilespmem:s6+$0x187E0]  }
0xa0: {  	v3 =	vld.idx.msk [tilespmem:v3+s5+$0x0], $0xffff  }
0xa1: {  	v5 =	vld.idx.msk [tilespmem:v5+s5+$0x0], $0xffff  }
0xa2: {  	v15 =	vld.idx.msk [tilespmem:v6+s5+$0x0], $0xffff  }
0xa3: {  	v7 =	vld.idx.msk [tilespmem:v7+s5+$0x0], $0xffff  }
0xa4: {  	v16 =	vld.idx.msk [tilespmem:v8+s5+$0x0], $0xffff  }
0xa5: {  	v9 =	vld.idx.msk [tilespmem:v9+s5+$0x0], $0xffff  }
0xa6: {  	[tilespmem:s6+$0x1AF00] =	vst v3;
	v8 =	vld.idx.msk [tilespmem:v10+s5+$0x0], $0xffff  }
.Ltmp0:
0xa7: {  	[tilespmem:s6+$0x1AF10] =	vst v5;
	v6 =	vld.idx.msk [tilespmem:v4+s5+$0x0], $0xffff;
	(pc) =	sbr.rel @p1 .LBB2_4-.Ltmp0, $4  }
0xa8: {  	[tilespmem:s6+$0x1AF20] =	vst v15;
	v4 =	vld.idx.msk [tilespmem:v11+s5+$0x0], $0xffff  }
0xa9: {  	[tilespmem:s6+$0x1AF30] =	vst v7;
	v3 =	vld.idx.msk [tilespmem:v12+s5+$0x0], $0xffff  }
0xaa: {  	[tilespmem:s6+$0x1AF40] =	vst v16;
	v5 =	vld.idx.msk [tilespmem:v13+s5+$0x0], $0xffff  }
0xab: {  	s9 =	sadd.s32 $0x100, s9;
	[tilespmem:s6+$0x1AF50] =	vst v9;
	v7 =	vld.idx.msk [tilespmem:v14+s5+$0x0], $0xffff  }
0xac: {  	_ =	sdelay $0x2  }
0xad: {  	[tilespmem:s6+$0x1AF60] =	vst v8  }
0xae: {  	v2 =	vld.idx.msk [tilespmem:v2+s5+$0x0], $0xffff;
	[tilespmem:s6+$0x1AF70] =	vst v6  }
0xaf: {  	v1 =	vld.idx.msk [tilespmem:v1+s5+$0x0], $0xffff;
	s8 =	smul.u32 $0x28, s31;
	[tilespmem:s6+$0x1AF80] =	vst v4  }
0xb0: {  	v0 =	vld.idx.msk [tilespmem:v0+s5+$0x0], $0xffff;
	[tilespmem:s6+$0x1AF90] =	vst v3  }
0xb1: {  	s9 =	sor.u32 s7, s8;
	[tilespmem:s6+$0x1AFA0] =	vst v5  }
0xb2: {  	s9 =	sshll.u32 s9, $0xD;
	[tilespmem:s6+$0x1AFB0] =	vst v7  }
0xb3: {  	s9 =	sor.u32 s29, s9;
	[tilespmem:s6+$0x1AFC0] =	vst v2  }
0xb4: {  	[tilespmem:s6+$0x1AFD0] =	vst v1;
	s9 =	sshrl.u32 s9, $0x3  }
0xb5: {  	s1 =	sadd.s32 $0x3, s1;
	s11 =	sadd.s32 $0x1AF00, s4;
	[tilespmem:s6+$0x1AFE0] =	vst v0;
	s10 =	sadd.s32 s3, s9  }
0xb6: {  	[hbm4b:s10+s24] =	stream.strided.scatter [tilespmem:s11], [sflag:s1], $0x400, s25, s24, $0x38;
	[tilespmem:$0x1D700] =	vst v63  }
0xb7: {  	s10 =	sadd.s32 s19, s8  }
0xb8: {  	s6 =	sshll.u32 s10, $0xD  }
0xb9: {  	s6 =	sor.u32 s29, s6  }
0xba: {  	s6 =	sshrl.u32 s6, $0x3  }
0xbb: {  	s11 =	sadd.s32 $0x1B300, s4;
	s10 =	sadd.s32 s20, s8;
	s6 =	sadd.s32 s3, s6  }
0xbc: {  	[hbm4b:s6+s24] =	stream.strided.scatter [tilespmem:s11], [sflag:s1], $0x400, s25, s24, $0x38;
	[tilespmem:$0x1D700] =	vst v63  }
0xbd: {  	s6 =	sshll.u32 s10, $0xD  }
0xbe: {  	s6 =	sor.u32 s29, s6  }
0xbf: {  	s6 =	sshrl.u32 s6, $0x3  }
0xc0: {  	s11 =	sadd.s32 $0x1B700, s4;
	s10 =	sadd.s32 s21, s8;
	s6 =	sadd.s32 s3, s6  }
0xc1: {  	[hbm4b:s6+s24] =	stream.strided.scatter [tilespmem:s11], [sflag:s1], $0x400, s25, s24, $0x38;
	[tilespmem:$0x1D700] =	vst v63  }
0xc2: {  	s6 =	sshll.u32 s10, $0xD  }
0xc3: {  	s6 =	sor.u32 s29, s6  }
0xc4: {  	s6 =	sshrl.u32 s6, $0x3  }
0xc5: {  	s11 =	sadd.s32 $0x1BB00, s4;
	s10 =	sadd.s32 s22, s8;
	s6 =	sadd.s32 s3, s6  }
0xc6: {  	[hbm4b:s6+s24] =	stream.strided.scatter [tilespmem:s11], [sflag:s1], $0x400, s25, s24, $0x38;
	[tilespmem:$0x1D700] =	vst v63  }
0xc7: {  	s6 =	sshll.u32 s10, $0xD  }
0xc8: {  	s6 =	sor.u32 s29, s6  }
0xc9: {  	s6 =	sshrl.u32 s6, $0x3  }
0xca: {  	p1 =	sgt.u32 s31, $0x7;
	s11 =	sadd.s32 $0x1BF00, s4;
	s6 =	sadd.s32 s3, s6  }
0xcb: {  	[hbm4b:s6+s24] =	stream.strided.scatter [tilespmem:s11], [sflag:s1], $0x400, s25, s24, $0x38;
	[tilespmem:$0x1D700] =	vst v63  }
0xcc: {  	s1 =	sadd.s32 @!p1 $0xA, s23  }
0xcd: {  	s6 =	sshll.u32 @!p1 s1, $0x4  }
0xce: {  	s1 =	sshll.u32 @!p1 s1, $0x7;
	s6 =	sand.u32 @!p1 $0x70, s6  }
0xcf: {  	s1 =	sand.u32 @!p1 $0x3C00, s1;
	s6 =	sadd.s32 @!p1 s2, s6  }
0xd0: {  	s8 =	simm.s32 @!p1 $0x400;
	s1 =	sadd.s32 @!p1 s1, s6;
	s6 =	simm.s32 @!p1 $0x80  }
0xd1: {  	[tilespmem:s26], [sflag:s0] =	stream.strided.gather @!p1 [hbm4b:s1+s6], $0x400, s8, s6, $0x38;
	[tilespmem:$0x1D700] =	vst v63  }
0xd2: {  	s1 =	sadd.s32 @!p1 $0xB, s23  }
0xd3: {  	s9 =	sshll.u32 @!p1 s1, $0x4  }
0xd4: {  	s1 =	sshll.u32 @!p1 s1, $0x7;
	s9 =	sand.u32 @!p1 $0x70, s9  }
0xd5: {  	s10 =	sadd.s32 $0x400, s4;
	s1 =	sand.u32 @!p1 $0x3C00, s1;
	s9 =	sadd.s32 @!p1 s2, s9  }
0xd6: {  	s10 =	sadd.s32 @!p1 $0x18700, s10;
	s1 =	sadd.s32 @!p1 s1, s9  }
0xd7: {  	[tilespmem:s10], [sflag:s0] =	stream.strided.gather @!p1 [hbm4b:s1+s6], $0x400, s8, s6, $0x38;
	[tilespmem:$0x1D700] =	vst v63  }
0xd8: {  	s1 =	sadd.s32 @!p1 $0xC, s23  }
0xd9: {  	s9 =	sshll.u32 @!p1 s1, $0x4  }
0xda: {  	s1 =	sshll.u32 @!p1 s1, $0x7;
	s9 =	sand.u32 @!p1 $0x70, s9  }
0xdb: {  	s10 =	sadd.s32 $0x800, s4;
	s1 =	sand.u32 @!p1 $0x3C00, s1;
	s9 =	sadd.s32 @!p1 s2, s9  }
0xdc: {  	s10 =	sadd.s32 @!p1 $0x18700, s10;
	s1 =	sadd.s32 @!p1 s1, s9  }
0xdd: {  	[tilespmem:s10], [sflag:s0] =	stream.strided.gather @!p1 [hbm4b:s1+s6], $0x400, s8, s6, $0x38;
	[tilespmem:$0x1D700] =	vst v63  }
0xde: {  	s1 =	sadd.s32 @!p1 $0xD, s23  }
0xdf: {  	s9 =	sshll.u32 @!p1 s1, $0x4  }
0xe0: {  	s1 =	sshll.u32 @!p1 s1, $0x7;
	s9 =	sand.u32 @!p1 $0x70, s9  }
0xe1: {  	s10 =	sadd.s32 $0xC00, s4;
	s1 =	sand.u32 @!p1 $0x3C00, s1;
	s9 =	sadd.s32 @!p1 s2, s9  }
0xe2: {  	s10 =	sadd.s32 @!p1 $0x18700, s10;
	s1 =	sadd.s32 @!p1 s1, s9  }
0xe3: {  	[tilespmem:s10], [sflag:s0] =	stream.strided.gather @!p1 [hbm4b:s1+s6], $0x400, s8, s6, $0x38;
	[tilespmem:$0x1D700] =	vst v63  }
0xe4: {  	s1 =	sadd.s32 @!p1 $0xE, s23  }
0xe5: {  	s9 =	sshll.u32 @!p1 s1, $0x4  }
0xe6: {  	s1 =	sshll.u32 @!p1 s1, $0x7;
	s9 =	sand.u32 @!p1 $0x70, s9  }
0xe7: {  	s4 =	sadd.s32 $0x1000, s4;
	s1 =	sand.u32 @!p1 $0x3C00, s1;
	s9 =	sadd.s32 @!p1 s2, s9  }
0xe8: {  	s31 =	sadd.s32 $0x1, s31;
	s4 =	sadd.s32 @!p1 $0x18700, s4;
	s1 =	sadd.s32 @!p1 s1, s9  }
0xe9: {  	[tilespmem:s4], [sflag:s0] =	stream.strided.gather @!p1 [hbm4b:s1+s6], $0x400, s8, s6, $0x38;
	[tilespmem:$0x1D700] =	vst v63  }
0xea: {  	p1 =	sne.s32 s31, $0xA  }
.Ltmp1:
0xeb: {  	_ = 	snop;
	(pc) =	sbr.rel @p1 .LBB2_3-.Ltmp1, $1  }
0xec: {  	_ =	sdelay $0x3  }
.Ltmp2:
0xed: {  	(pc) =	sbr.rel @p0 .LBB2_2-.Ltmp2, $2  }
0xee: {  	_ =	sdelay $0x2  }
0xef: {  	s0 =	simm.s32 $0x1;
	p1 =	por $0x0, $0x0;
	p2 =	por $0x1, $0x1  }
0xf0: {  	s0 =	simm.s32 $0x3  }
0xf1: {  	_ =	swait.ge [sflag:s0], $0x400  }
0xf2: {  	[sflag:s0] =	ssyncset.done $0x0  }
0xf3: {  	[sflag:s0] =	ssyncadd.s32 $0xFFFFFC00  }
0xf4: {  	_ =	swait.ge [sflag:s0], $0x400  }
0xf5: {  	[sflag:s0] =	ssyncset.done $0x0  }
0xf6: {  	[sflag:s0] =	ssyncadd.s32 $0xFFFFFC00  }
0xf7: {  	_ =	swait.ge [sflag:s0], $0x400  }
0xf8: {  	[sflag:s0] =	ssyncset.done $0x0  }
0xf9: {  	[sflag:s0] =	ssyncadd.s32 $0xFFFFFC00  }
0xfa: {  	_ =	swait.ge [sflag:s0], $0x400  }
0xfb: {  	[sflag:s0] =	ssyncset.done $0x0  }
0xfc: {  	[sflag:s0] =	ssyncadd.s32 $0xFFFFFC00  }
0xfd: {  	_ =	swait.ge [sflag:s0], $0x400  }
0xfe: {  	[sflag:s0] =	ssyncset.done $0x0  }
0xff: {  	s1 =	simm.s32 $0x4;
	[sflag:s0] =	ssyncadd.s32 $0xFFFFFC00  }
0x100: {  	_ =	swait.ge [sflag:s1], $0x400  }
0x101: {  	[sflag:s1] =	ssyncset.done $0x0  }
0x102: {  	[sflag:s1] =	ssyncadd.s32 $0xFFFFFC00  }
0x103: {  	_ =	swait.ge [sflag:s1], $0x400  }
0x104: {  	[sflag:s1] =	ssyncset.done $0x0  }
0x105: {  	[sflag:s1] =	ssyncadd.s32 $0xFFFFFC00  }
0x106: {  	_ =	swait.ge [sflag:s1], $0x400  }
0x107: {  	[sflag:s1] =	ssyncset.done $0x0  }
0x108: {  	[sflag:s1] =	ssyncadd.s32 $0xFFFFFC00  }
0x109: {  	_ =	swait.ge [sflag:s1], $0x400  }
0x10a: {  	[sflag:s1] =	ssyncset.done $0x0  }
0x10b: {  	[sflag:s1] =	ssyncadd.s32 $0xFFFFFC00  }
0x10c: {  	_ =	swait.ge [sflag:s1], $0x400  }
0x10d: {  	s4 =	rddreg [dreg:$0xa]  }
0x10e: {  	s31 =	rddreg [dreg:$0x9];
	s4 =	sadd.s32 $0x1, s4  }
0x10f: {  	p0 =	sne.s32 s4, s31  }
.Ltmp3:
0x110: {  	_ = 	snop;
	(pc) =	sbr.rel @p0 .LBB2_1-.Ltmp3, $3  }
0x111: {  	_ =	sdelay $0x1  }
0x112: {  	[sflag:s1] =	ssyncset.done $0x0  }
0x113: {  	[sflag:s1] =	ssyncadd.s32 $0xFFFFFC00  }
0x114: {  	_ =	sfence.sel $0x180000  }
0x115: {  	[bflag:$0x0] =	sbarrier.arrive $0xFFFF  }
0x116: {  	_ =	strace $0x90000047  }
0x117: {  	s0 =	stileid.u32;
	[bflag:$0x2] =	sbarrier.arrive $0xFFFF  }
0x118: {  	p0 =	sne.s32 s0, $0x0;
	s0 =	rddreg [dreg:$0x3]  }
0x119: {  	s0 =	sadd.s32 @!p0 $0x100000, s0  }
0x11a: {  	[sflag:s0] =	ssyncadd.tile.s32 @!p0 $0x1;
	_ =	shalt  }
.Lfunc_end2:
_tile_overlayer_lowered:
.L_overlay_start_2:
0x11b: {  	(tag) =	ssettag $0x2  }
0x11c: {  	s0 =	rddreg [dreg:$0x0];
	s2 =	stileid.u32  }
0x11d: {  	s1 =	rddreg [dreg:$0x1];
	p0 =	sne.s32 s2, $0x0  }
0x11e: {  	s3 =	rddreg [dreg:$0x2];
	[bflag:$0x3] =	sbarrier.arrive $0xFFFF;
	s2 =	simm.s32 @!p0 $0x1C06  }
0x11f: {  	[timem:s3], [sflag:s2] =	dma.local @!p0 [hbm:s0], s1  }
0x120: {  	s0 =	simm.s32 @!p0 $0x6  }
0x121: {  	_ =	swait.ge @!p0 [sflag:s0], s1  }
0x122: {  	s1 =	ssub.s32 @!p0 $0x0, s1;
	[sflag:s0] =	ssyncset.done @!p0 $0x0  }
0x123: {  	[sflag:s0] =	ssyncadd.s32 @!p0 s1  }
0x124: {  	[bflag:$0x3] =	sbarrier.arrive $0xFFFF  }
0x125: {  	_ =	shalt  }

</sc_bundles>
